<compile_context>
chip_gen: v7x
topology: tpu7x:2x2x1
jax: 0.10.2.dev20260603
libtpu: 0.0.44.dev20260713+nightly
codegen_flags: <defaults>
</compile_context>

<pallas_src>
import functools
import math

import jax
import jax.numpy as jnp
from jax import lax
from jax.experimental import pallas as pl
from jax.experimental.pallas import tpu as pltpu
from jax.experimental.pallas import tpu_sc as plsc

S = 2048
H = 768
E = 8
F = 2048
NMOD = 3
TB = 128
NBLK = S // TB + E
NPOS = NBLK * TB
ENT_TH = math.log(4)

NC = 2
NS = 16
NW = NC * NS
TOK_W = S // NW


def _gate_body(x_ref, gw_ref, gb_ref, mm_ref, pos_ref, be_ref, aux_ref):
    x = x_ref[...]
    logits = jnp.dot(x, gw_ref[...], preferred_element_type=jnp.float32) + gb_ref[...]
    mx = jnp.max(logits, axis=-1, keepdims=True)
    ex = jnp.exp(logits - mx)
    p = ex / jnp.sum(ex, axis=-1, keepdims=True)

    iota_e = lax.broadcasted_iota(jnp.int32, (1, E), 1)
    is_max = logits >= jnp.max(logits, axis=-1, keepdims=True)
    e_id = jnp.min(jnp.where(is_max, iota_e, E), axis=-1, keepdims=True)

    ent = -jnp.sum(p * jnp.log(p + 1e-10), axis=-1)
    total = jnp.float32(0.0)
    nvalid = jnp.float32(0.0)
    for m_i in range(NMOD):
        mm = (mm_ref[:, m_i] > 0).astype(jnp.float32)
        cnt = jnp.sum(mm)
        denom = jnp.maximum(cnt, 1.0)
        local = jnp.sum(ent * mm) / denom
        marg = jnp.sum(p * mm[:, None], axis=0) / denom
        ge = -jnp.sum(marg * jnp.log(marg + 1e-10))
        aux = local + jax.nn.relu(ENT_TH + ge)
        valid = (cnt > 0).astype(jnp.float32)
        total = total + valid * aux
        nvalid = nvalid + valid
    aux_ref[...] = (total / jnp.maximum(nvalid, 1.0)) * jnp.ones((1, 1), jnp.float32)

    oh = (e_id == iota_e).astype(jnp.float32)
    c = oh
    k = 1
    while k < S:
        c = c + jnp.concatenate([jnp.zeros((k, E), jnp.float32), c[: S - k]], axis=0)
        k *= 2
    counts = c[S - 1 : S].astype(jnp.int32)
    nblk = (counts + TB - 1) // TB
    kk = lax.broadcasted_iota(jnp.int32, (E, E), 0)
    jj = lax.broadcasted_iota(jnp.int32, (E, E), 1)
    lt = (kk < jj).astype(jnp.int32)
    start_blk = jnp.sum(nblk.reshape(E, 1) * lt, axis=0, keepdims=True)
    group_start = (start_blk * TB).astype(jnp.float32)

    rank = jnp.sum(oh * c, axis=-1) - 1.0
    gs_t = jnp.sum(oh * group_start, axis=-1)
    pos_ref[...] = (gs_t + rank).astype(jnp.int32)

    ii = lax.broadcasted_iota(jnp.int32, (NBLK, 1), 0)
    be = jnp.sum((ii >= start_blk).astype(jnp.int32), axis=-1) - 1
    be_ref[...] = be


def _run_gate(xf, gate_w, gate_b, mm):
    return pl.pallas_call(
        _gate_body,
        out_shape=[
            jax.ShapeDtypeStruct((S,), jnp.int32),
            jax.ShapeDtypeStruct((NBLK,), jnp.int32),
            jax.ShapeDtypeStruct((1, 1), jnp.float32),
        ],
    )(xf, gate_w, gate_b.reshape(1, E), mm)


def _ffn_body(be_ref, xs_ref, w1_ref, b1_ref, w2_ref, b2_ref, out_ref):
    del be_ref
    xb = xs_ref[...]
    h = jnp.dot(xb, w1_ref[0], preferred_element_type=jnp.float32)
    h = h + b1_ref[0]
    h = 0.5 * h * (1.0 + lax.erf(h * (1.0 / math.sqrt(2.0))))
    o = jnp.dot(h, w2_ref[0], preferred_element_type=jnp.float32)
    out_ref[...] = o + b2_ref[0]


def _run_ffn(be, xs, w1, b1, w2, b2):
    return pl.pallas_call(
        _ffn_body,
        grid_spec=pltpu.PrefetchScalarGridSpec(
            num_scalar_prefetch=1,
            grid=(NBLK,),
            in_specs=[
                pl.BlockSpec((TB, H), lambda i, be: (i, 0)),
                pl.BlockSpec((1, H, F), lambda i, be: (be[i], 0, 0)),
                pl.BlockSpec((1, 1, F), lambda i, be: (be[i], 0, 0)),
                pl.BlockSpec((1, F, H), lambda i, be: (be[i], 0, 0)),
                pl.BlockSpec((1, 1, H), lambda i, be: (be[i], 0, 0)),
            ],
            out_specs=pl.BlockSpec((TB, H), lambda i, be: (i, 0)),
        ),
        out_shape=jax.ShapeDtypeStruct((NPOS, H), jnp.float32),
    )(be, xs, w1, b1, w2, b2)


@functools.cache
def _make_sc_kernels():
    mesh = plsc.VectorSubcoreMesh(core_axis_name="c", subcore_axis_name="s")

    @functools.partial(
        pl.kernel,
        mesh=mesh,
        out_type=jax.ShapeDtypeStruct((NPOS, H), jnp.float32),
        scratch_types=[
            pltpu.VMEM((TOK_W,), jnp.int32),
            pltpu.VMEM((TOK_W, H), jnp.float32),
            pltpu.SemaphoreType.DMA,
        ],
    )
    def sc_scatter(x_hbm, pos_hbm, out_hbm, idx_v, rows_v, sem):
        wid = lax.axis_index("s") * NC + lax.axis_index("c")
        base = wid * TOK_W
        pltpu.sync_copy(pos_hbm.at[pl.ds(base, TOK_W)], idx_v)
        pltpu.sync_copy(x_hbm.at[pl.ds(base, TOK_W)], rows_v)
        pltpu.async_copy(rows_v, out_hbm.at[idx_v], sem).wait()

    @functools.partial(
        pl.kernel,
        mesh=mesh,
        out_type=jax.ShapeDtypeStruct((S, H), jnp.float32),
        scratch_types=[
            pltpu.VMEM((TOK_W,), jnp.int32),
            pltpu.VMEM((TOK_W, H), jnp.float32),
            pltpu.SemaphoreType.DMA,
        ],
    )
    def sc_gather(ys_hbm, pos_hbm, out_hbm, idx_v, rows_v, sem):
        wid = lax.axis_index("s") * NC + lax.axis_index("c")
        base = wid * TOK_W
        pltpu.sync_copy(pos_hbm.at[pl.ds(base, TOK_W)], idx_v)
        pltpu.async_copy(ys_hbm.at[idx_v], rows_v, sem).wait()
        pltpu.sync_copy(rows_v, out_hbm.at[pl.ds(base, TOK_W)])

    return sc_scatter, sc_gather


def _sc_scatter(x_f32, pos):
    return _make_sc_kernels()[0](x_f32, pos)


def _sc_gather(ys_f32, pos):
    return _make_sc_kernels()[1](ys_f32, pos)


def kernel(x, modality_mask, gate_w, gate_b, w1, b1, w2, b2):
    xf = x.reshape(S, H)
    mm = modality_mask.reshape(S, NMOD)
    pos, be, aux = _run_gate(xf, gate_w, gate_b, mm)

    xs = _sc_scatter(xf, pos)
    ys = _run_ffn(be, xs, w1, b1.reshape(E, 1, F), w2, b2.reshape(E, 1, H))
    out = _sc_gather(ys, pos)
    return out.astype(jnp.bfloat16).reshape(1, S, H), aux.reshape(())

# --- scband reference (transcript-rebuilt; emitter-appended) ---
"""Pipeline reference for scband-mo-elayer-1013612282515 (READ-ONLY COPY).

The authoritative reference and input builder live on the scoring server;
editing this copy changes nothing except your own understanding.
"""

import jax, jax.numpy as jnp
import numpy as np
import math

B = 1
S = 2048
HIDDEN = 768
E = 8
TOPK = 1
FFN = 2048
NMOD = 3
ENTROPY_THRESHOLD = math.log(4)


def setup_inputs(seed: int = 0) -> dict:
    key = jax.random.key(seed)
    ks = jax.random.split(key, 8)
    x = jax.random.normal(ks[0], (B, S, HIDDEN), dtype=jnp.float32)
    modality_mask = jax.random.randint(ks[1], (B, S, NMOD), 0, 2).astype(jnp.float32)
    gate_w = jax.random.normal(ks[2], (HIDDEN, E), dtype=jnp.float32) * 0.02
    gate_b = jnp.zeros((E,), dtype=jnp.float32)
    w1 = jax.random.normal(ks[3], (E, HIDDEN, FFN), dtype=jnp.float32) * 0.02
    b1 = jnp.zeros((E, FFN), dtype=jnp.float32)
    w2 = jax.random.normal(ks[4], (E, FFN, HIDDEN), dtype=jnp.float32) * 0.02
    b2 = jnp.zeros((E, HIDDEN), dtype=jnp.float32)
    return {"x": x, "modality_mask": modality_mask, "gate_w": gate_w, "gate_b": gate_b, "w1": w1, "b1": b1, "w2": w2, "b2": b2}


def reference(x, modality_mask, gate_w, gate_b, w1, b1, w2, b2):
    Bs, Sl, H = x.shape
    Ee = gate_w.shape[1]
    gate_logits = x @ gate_w + gate_b
    gate_probs = jax.nn.softmax(gate_logits, axis=-1)
    max_probs = jnp.max(gate_probs, axis=-1)
    sorted_indices = jnp.argsort(-max_probs.reshape(-1))
    cap = int(Ee * Sl * 1.2)
    sorted_indices = sorted_indices[:cap]
    probs_flat = gate_probs.reshape(-1, Ee)
    sorted_probs = probs_flat[sorted_indices]
    sorted_inputs = x.reshape(-1, H)[sorted_indices]
    top_k_probs, top_k_indices = jax.lax.top_k(sorted_probs, TOPK)
    top_k_probs = jax.nn.softmax(top_k_probs, axis=-1)
    expert_output = jnp.zeros(sorted_inputs.shape, dtype=jnp.bfloat16)
    for i in range(TOPK):
        expert_idx = top_k_indices[:, i]
        prob = top_k_probs[:, i][:, None]
        for j in range(Ee):
            mask = (expert_idx == j).astype(jnp.float32)[:, None]
            expert_input = sorted_inputs * mask
            h = jax.nn.gelu(expert_input @ w1[j] + b1[j], approximate=False)
            out_j = h @ w2[j] + b2[j]
            expert_output = expert_output + (prob * out_j * mask).astype(jnp.bfloat16)
    output = jnp.zeros((Bs * Sl, H), dtype=jnp.bfloat16).at[sorted_indices].set(expert_output)
    output = output.reshape(Bs, Sl, H)
    ent_per_tok = -jnp.sum(probs_flat * jnp.log(probs_flat + 1e-10), axis=-1)
    total = jnp.float32(0.0)
    n_valid = jnp.float32(0.0)
    for m in range(NMOD):
        mmask = (modality_mask[:, :, m].reshape(-1) > 0).astype(jnp.float32)
        cnt = jnp.sum(mmask)
        denom = jnp.maximum(cnt, 1.0)
        local_entropy = jnp.sum(ent_per_tok * mmask) / denom
        marginal = jnp.sum(probs_flat * mmask[:, None], axis=0) / denom
        global_entropy = -jnp.sum(marginal * jnp.log(marginal + 1e-10))
        global_entropy_loss = jax.nn.relu(ENTROPY_THRESHOLD + global_entropy)
        aux = local_entropy + global_entropy_loss
        valid = (cnt > 0).astype(jnp.float32)
        total = total + valid * aux
        n_valid = n_valid + valid
    aux_loss = total / jnp.maximum(n_valid, 1.0)
    return (output, aux_loss)

if __name__ == "__main__":
    import jax
    _d = setup_inputs()
    print(jax.jit(kernel)(*tuple(_d.values())))

</pallas_src>

<mosaic_0001>
#map = affine_map<(d0, d1) -> (0, 0)>
#map1 = affine_map<(d0, d1) -> (0)>
module attributes {stable_mosaic.version = 14 : i64} {
  func.func @sc_gather(%arg0: i32, %arg1: i32, %arg2: memref<3072x768xf32, #tpu.memory_space<hbm>>, %arg3: memref<2048xi32, #tpu.memory_space<hbm>>, %arg4: memref<2048x768xf32, #tpu.memory_space<hbm>>, %arg5: memref<64xi32, #tpu.memory_space<vmem>>, %arg6: memref<64x768xf32, #tpu.memory_space<vmem>>, %arg7: memref<!tpu.dma_semaphore, #tpu.memory_space<semaphore_mem>>) attributes {dimension_semantics = [#tpu.dimension_semantics<core_parallel>, #tpu.dimension_semantics<subcore_parallel>], iteration_bounds = array<i64: 2, 16>, scalar_prefetch = 0 : i64, scratch_operands = 3 : i64, tpu.core_type = #tpu.core_type<sc_vector_subcore>, window_params = [{transform_indices = #map}, {transform_indices = #map1}, {transform_indices = #map}]} {
    %mul3A = arith.constant 2 : i32
    %mul3A_0 = arith.muli %arg1, %mul3A : i32
    %add3A = arith.addi %mul3A_0, %arg0 : i32
    %mul3A_1 = arith.constant 64 : i32
    %mul3A_2 = arith.muli %add3A, %mul3A_1 : i32
    "tpu.region"() ({
      %run_scoped3A = tpu.sem_alloc : memref<!tpu.dma_semaphore, #tpu.memory_space<semaphore_mem>>
      %dma_start3A_7 = tpu.memref_slice %arg3[%mul3A_2] : memref<2048xi32, #tpu.memory_space<hbm>> -> memref<64xi32, #tpu.memory_space<hbm>>
      %dma_start3A_8 = tpu.memref_slice %arg3[%mul3A_2] : memref<2048xi32, #tpu.memory_space<hbm>> -> memref<64xi32, #tpu.memory_space<hbm>>
      tpu.enqueue_dma source(%dma_start3A_8 : memref<64xi32, #tpu.memory_space<hbm>>) target(%arg5 : memref<64xi32, #tpu.memory_space<vmem>>) target_semaphore(%run_scoped3A : memref<!tpu.dma_semaphore, #tpu.memory_space<semaphore_mem>>)
      %dma_wait3A_9 = tpu.memref_slice %arg3[%mul3A_2] : memref<2048xi32, #tpu.memory_space<hbm>> -> memref<64xi32, #tpu.memory_space<hbm>>
      %dma_wait3A_10 = tpu.memref_slice %arg3[%mul3A_2] : memref<2048xi32, #tpu.memory_space<hbm>> -> memref<64xi32, #tpu.memory_space<hbm>>
      tpu.wait_dma2 semaphore(%run_scoped3A : memref<!tpu.dma_semaphore, #tpu.memory_space<semaphore_mem>>) src(%dma_wait3A_10 : memref<64xi32, #tpu.memory_space<hbm>>) dst(%arg5 : memref<64xi32, #tpu.memory_space<vmem>>)
      tpu.yield
    }) : () -> ()
    %dma_start3A = arith.constant 0 : i32
    %dma_start3A_3 = arith.constant 0 : i32
    %dma_start3A_4 = tpu.memref_slice %arg2[%dma_start3A, %dma_start3A_3] : memref<3072x768xf32, #tpu.memory_space<hbm>> -> memref<3072x768xf32, #tpu.memory_space<hbm>>
    tpu.enqueue_indirect_dma source(%dma_start3A_4 : memref<3072x768xf32, #tpu.memory_space<hbm>>) target(%arg6 : memref<64x768xf32, #tpu.memory_space<vmem>>) offsets(%arg5 : memref<64xi32, #tpu.memory_space<vmem>>) semaphore(%arg7 : memref<!tpu.dma_semaphore, #tpu.memory_space<semaphore_mem>>)
    %dma_wait3A = arith.constant 0 : i32
    %dma_wait3A_5 = arith.constant 0 : i32
    %dma_wait3A_6 = tpu.memref_slice %arg2[%dma_wait3A, %dma_wait3A_5] : memref<3072x768xf32, #tpu.memory_space<hbm>> -> memref<3072x768xf32, #tpu.memory_space<hbm>>
    tpu.wait_indirect_dma semaphore(%arg7 : memref<!tpu.dma_semaphore, #tpu.memory_space<semaphore_mem>>) src(%dma_wait3A_6 : memref<3072x768xf32, #tpu.memory_space<hbm>>) dst(%arg6 : memref<64x768xf32, #tpu.memory_space<vmem>>)
    "tpu.region"() ({
      %run_scoped3A = tpu.sem_alloc : memref<!tpu.dma_semaphore, #tpu.memory_space<semaphore_mem>>
      %dma_start3A_7 = arith.constant 0 : i32
      %dma_start3A_8 = tpu.memref_slice %arg4[%mul3A_2, %dma_start3A_7] : memref<2048x768xf32, #tpu.memory_space<hbm>> -> memref<64x768xf32, #tpu.memory_space<hbm>>
      %dma_start3A_9 = arith.constant 0 : i32
      %dma_start3A_10 = tpu.memref_slice %arg4[%mul3A_2, %dma_start3A_9] : memref<2048x768xf32, #tpu.memory_space<hbm>> -> memref<64x768xf32, #tpu.memory_space<hbm>>
      tpu.enqueue_dma source(%arg6 : memref<64x768xf32, #tpu.memory_space<vmem>>) target(%dma_start3A_10 : memref<64x768xf32, #tpu.memory_space<hbm>>) target_semaphore(%run_scoped3A : memref<!tpu.dma_semaphore, #tpu.memory_space<semaphore_mem>>)
      %dma_wait3A_11 = arith.constant 0 : i32
      %dma_wait3A_12 = tpu.memref_slice %arg4[%mul3A_2, %dma_wait3A_11] : memref<2048x768xf32, #tpu.memory_space<hbm>> -> memref<64x768xf32, #tpu.memory_space<hbm>>
      %dma_wait3A_13 = arith.constant 0 : i32
      %dma_wait3A_14 = tpu.memref_slice %arg4[%mul3A_2, %dma_wait3A_13] : memref<2048x768xf32, #tpu.memory_space<hbm>> -> memref<64x768xf32, #tpu.memory_space<hbm>>
      tpu.wait_dma2 semaphore(%run_scoped3A : memref<!tpu.dma_semaphore, #tpu.memory_space<semaphore_mem>>) src(%arg6 : memref<64x768xf32, #tpu.memory_space<vmem>>) dst(%dma_wait3A_14 : memref<64x768xf32, #tpu.memory_space<hbm>>)
      tpu.yield
    }) : () -> ()
    return
  }
}

#map = affine_map<(d0, d1) -> (0, 0)>
#map1 = affine_map<(d0, d1) -> (0)>
module attributes {stable_mosaic.version = 14 : i64} {
  func.func @sc_scatter(%arg0: i32, %arg1: i32, %arg2: memref<2048x768xf32, #tpu.memory_space<hbm>>, %arg3: memref<2048xi32, #tpu.memory_space<hbm>>, %arg4: memref<3072x768xf32, #tpu.memory_space<hbm>>, %arg5: memref<64xi32, #tpu.memory_space<vmem>>, %arg6: memref<64x768xf32, #tpu.memory_space<vmem>>, %arg7: memref<!tpu.dma_semaphore, #tpu.memory_space<semaphore_mem>>) attributes {dimension_semantics = [#tpu.dimension_semantics<core_parallel>, #tpu.dimension_semantics<subcore_parallel>], iteration_bounds = array<i64: 2, 16>, scalar_prefetch = 0 : i64, scratch_operands = 3 : i64, tpu.core_type = #tpu.core_type<sc_vector_subcore>, window_params = [{transform_indices = #map}, {transform_indices = #map1}, {transform_indices = #map}]} {
    %mul3A = arith.constant 2 : i32
    %mul3A_0 = arith.muli %arg1, %mul3A : i32
    %add3A = arith.addi %mul3A_0, %arg0 : i32
    %mul3A_1 = arith.constant 64 : i32
    %mul3A_2 = arith.muli %add3A, %mul3A_1 : i32
    "tpu.region"() ({
      %run_scoped3A = tpu.sem_alloc : memref<!tpu.dma_semaphore, #tpu.memory_space<semaphore_mem>>
      %dma_start3A_7 = tpu.memref_slice %arg3[%mul3A_2] : memref<2048xi32, #tpu.memory_space<hbm>> -> memref<64xi32, #tpu.memory_space<hbm>>
      %dma_start3A_8 = tpu.memref_slice %arg3[%mul3A_2] : memref<2048xi32, #tpu.memory_space<hbm>> -> memref<64xi32, #tpu.memory_space<hbm>>
      tpu.enqueue_dma source(%dma_start3A_8 : memref<64xi32, #tpu.memory_space<hbm>>) target(%arg5 : memref<64xi32, #tpu.memory_space<vmem>>) target_semaphore(%run_scoped3A : memref<!tpu.dma_semaphore, #tpu.memory_space<semaphore_mem>>)
      %dma_wait3A_9 = tpu.memref_slice %arg3[%mul3A_2] : memref<2048xi32, #tpu.memory_space<hbm>> -> memref<64xi32, #tpu.memory_space<hbm>>
      %dma_wait3A_10 = tpu.memref_slice %arg3[%mul3A_2] : memref<2048xi32, #tpu.memory_space<hbm>> -> memref<64xi32, #tpu.memory_space<hbm>>
      tpu.wait_dma2 semaphore(%run_scoped3A : memref<!tpu.dma_semaphore, #tpu.memory_space<semaphore_mem>>) src(%dma_wait3A_10 : memref<64xi32, #tpu.memory_space<hbm>>) dst(%arg5 : memref<64xi32, #tpu.memory_space<vmem>>)
      tpu.yield
    }) : () -> ()
    "tpu.region"() ({
      %run_scoped3A = tpu.sem_alloc : memref<!tpu.dma_semaphore, #tpu.memory_space<semaphore_mem>>
      %dma_start3A_7 = arith.constant 0 : i32
      %dma_start3A_8 = tpu.memref_slice %arg2[%mul3A_2, %dma_start3A_7] : memref<2048x768xf32, #tpu.memory_space<hbm>> -> memref<64x768xf32, #tpu.memory_space<hbm>>
      %dma_start3A_9 = arith.constant 0 : i32
      %dma_start3A_10 = tpu.memref_slice %arg2[%mul3A_2, %dma_start3A_9] : memref<2048x768xf32, #tpu.memory_space<hbm>> -> memref<64x768xf32, #tpu.memory_space<hbm>>
      tpu.enqueue_dma source(%dma_start3A_10 : memref<64x768xf32, #tpu.memory_space<hbm>>) target(%arg6 : memref<64x768xf32, #tpu.memory_space<vmem>>) target_semaphore(%run_scoped3A : memref<!tpu.dma_semaphore, #tpu.memory_space<semaphore_mem>>)
      %dma_wait3A_11 = arith.constant 0 : i32
      %dma_wait3A_12 = tpu.memref_slice %arg2[%mul3A_2, %dma_wait3A_11] : memref<2048x768xf32, #tpu.memory_space<hbm>> -> memref<64x768xf32, #tpu.memory_space<hbm>>
      %dma_wait3A_13 = arith.constant 0 : i32
      %dma_wait3A_14 = tpu.memref_slice %arg2[%mul3A_2, %dma_wait3A_13] : memref<2048x768xf32, #tpu.memory_space<hbm>> -> memref<64x768xf32, #tpu.memory_space<hbm>>
      tpu.wait_dma2 semaphore(%run_scoped3A : memref<!tpu.dma_semaphore, #tpu.memory_space<semaphore_mem>>) src(%dma_wait3A_14 : memref<64x768xf32, #tpu.memory_space<hbm>>) dst(%arg6 : memref<64x768xf32, #tpu.memory_space<vmem>>)
      tpu.yield
    }) : () -> ()
    %dma_start3A = arith.constant 0 : i32
    %dma_start3A_3 = arith.constant 0 : i32
    %dma_start3A_4 = tpu.memref_slice %arg4[%dma_start3A, %dma_start3A_3] : memref<3072x768xf32, #tpu.memory_space<hbm>> -> memref<3072x768xf32, #tpu.memory_space<hbm>>
    tpu.enqueue_indirect_dma source(%arg6 : memref<64x768xf32, #tpu.memory_space<vmem>>) target(%dma_start3A_4 : memref<3072x768xf32, #tpu.memory_space<hbm>>) offsets(%arg5 : memref<64xi32, #tpu.memory_space<vmem>>) semaphore(%arg7 : memref<!tpu.dma_semaphore, #tpu.memory_space<semaphore_mem>>)
    %dma_wait3A = arith.constant 0 : i32
    %dma_wait3A_5 = arith.constant 0 : i32
    %dma_wait3A_6 = tpu.memref_slice %arg4[%dma_wait3A, %dma_wait3A_5] : memref<3072x768xf32, #tpu.memory_space<hbm>> -> memref<3072x768xf32, #tpu.memory_space<hbm>>
    tpu.wait_indirect_dma semaphore(%arg7 : memref<!tpu.dma_semaphore, #tpu.memory_space<semaphore_mem>>) src(%arg6 : memref<64x768xf32, #tpu.memory_space<vmem>>) dst(%dma_wait3A_6 : memref<3072x768xf32, #tpu.memory_space<hbm>>)
    return
  }
}

module attributes {stable_mosaic.version = 14 : i64} {
  func.func @_ffn_body(%arg0: i32, %arg1: memref<24xi32, #tpu.memory_space<smem>>, %arg2: memref<128x768xf32, #tpu.memory_space<vmem>>, %arg3: memref<1x768x2048xf32, #tpu.memory_space<vmem>>, %arg4: memref<1x1x2048xf32, #tpu.memory_space<vmem>>, %arg5: memref<1x2048x768xf32, #tpu.memory_space<vmem>>, %arg6: memref<1x1x768xf32, #tpu.memory_space<vmem>>, %arg7: memref<128x768xf32, #tpu.memory_space<vmem>>) attributes {dimension_semantics = [#tpu.dimension_semantics<arbitrary>], iteration_bounds = array<i64: 24>, scalar_prefetch = 1 : i64, scratch_operands = 0 : i64, tpu.core_type = #tpu.core_type<tc>, window_params = [{transform_indices = @transform_0, window_bounds = array<i64: 128, 768>}, {transform_indices = @transform_1, window_bounds = array<i64: 1, 768, 2048>}, {transform_indices = @transform_2, window_bounds = array<i64: 1, 1, 2048>}, {transform_indices = @transform_3, window_bounds = array<i64: 1, 2048, 768>}, {transform_indices = @transform_4, window_bounds = array<i64: 1, 1, 768>}, {transform_indices = @transform_5, window_bounds = array<i64: 128, 768>}]} {
    %get3A = arith.constant 0 : index
    %get3A_0 = arith.constant 0 : index
    %get3A_1 = vector.load %arg2[%get3A, %get3A_0] : memref<128x768xf32, #tpu.memory_space<vmem>>, vector<128x768xf32>
    %get3A_2 = arith.constant 0 : index
    %get3A_3 = arith.constant 0 : index
    %get3A_4 = arith.constant 0 : index
    %get3A_5 = vector.load %arg3[%get3A_2, %get3A_3, %get3A_4] : memref<1x768x2048xf32, #tpu.memory_space<vmem>>, vector<1x768x2048xf32>
    %get3A_6 = vector.shape_cast %get3A_5 : vector<1x768x2048xf32> to vector<768x2048xf32>
    %dot_general3A = arith.constant dense<0.000000e+00> : vector<128x2048xf32>
    %dot_general3A_7 = tpu.matmul %get3A_1, %get3A_6, %dot_general3A {dimension_numbers = #tpu.dot_dimension_numbers<[1], [0], [0], [1], [0, 0, 1, 1], [], []>, transpose_lhs_hint = false} : vector<128x768xf32>, vector<768x2048xf32>, vector<128x2048xf32> -> vector<128x2048xf32>
    %get3A_8 = arith.constant 0 : index
    %get3A_9 = arith.constant 0 : index
    %get3A_10 = arith.constant 0 : index
    %get3A_11 = vector.load %arg4[%get3A_8, %get3A_9, %get3A_10] : memref<1x1x2048xf32, #tpu.memory_space<vmem>>, vector<1x1x2048xf32>
    %get3A_12 = vector.shape_cast %get3A_11 : vector<1x1x2048xf32> to vector<1x2048xf32>
    %add3A = vector.broadcast %get3A_12 : vector<1x2048xf32> to vector<128x2048xf32>
    %add3A_13 = arith.addf %dot_general3A_7, %add3A : vector<128x2048xf32>
    %mul3A = arith.constant 5.000000e-01 : f32
    %mul3A_14 = vector.broadcast %mul3A : f32 to vector<128x2048xf32>
    %mul3A_15 = arith.mulf %mul3A_14, %add3A_13 : vector<128x2048xf32>
    %mul3A_16 = arith.constant 0.707106769 : f32
    %mul3A_17 = vector.broadcast %mul3A_16 : f32 to vector<128x2048xf32>
    %mul3A_18 = arith.mulf %add3A_13, %mul3A_17 : vector<128x2048xf32>
    %erf3A = math.erf %mul3A_18 : vector<128x2048xf32>
    %add3A_19 = arith.constant 1.000000e+00 : f32
    %add3A_20 = vector.broadcast %add3A_19 : f32 to vector<128x2048xf32>
    %add3A_21 = arith.addf %add3A_20, %erf3A : vector<128x2048xf32>
    %mul3A_22 = arith.mulf %mul3A_15, %add3A_21 : vector<128x2048xf32>
    %get3A_23 = arith.constant 0 : index
    %get3A_24 = arith.constant 0 : index
    %get3A_25 = arith.constant 0 : index
    %get3A_26 = vector.load %arg5[%get3A_23, %get3A_24, %get3A_25] : memref<1x2048x768xf32, #tpu.memory_space<vmem>>, vector<1x2048x768xf32>
    %get3A_27 = vector.shape_cast %get3A_26 : vector<1x2048x768xf32> to vector<2048x768xf32>
    %dot_general3A_28 = arith.constant dense<0.000000e+00> : vector<128x768xf32>
    %dot_general3A_29 = tpu.matmul %mul3A_22, %get3A_27, %dot_general3A_28 {dimension_numbers = #tpu.dot_dimension_numbers<[1], [0], [0], [1], [0, 0, 1, 1], [], []>, transpose_lhs_hint = false} : vector<128x2048xf32>, vector<2048x768xf32>, vector<128x768xf32> -> vector<128x768xf32>
    %get3A_30 = arith.constant 0 : index
    %get3A_31 = arith.constant 0 : index
    %get3A_32 = arith.constant 0 : index
    %get3A_33 = vector.load %arg6[%get3A_30, %get3A_31, %get3A_32] : memref<1x1x768xf32, #tpu.memory_space<vmem>>, vector<1x1x768xf32>
    %get3A_34 = vector.shape_cast %get3A_33 : vector<1x1x768xf32> to vector<1x768xf32>
    %add3A_35 = vector.broadcast %get3A_34 : vector<1x768xf32> to vector<128x768xf32>
    %add3A_36 = arith.addf %dot_general3A_29, %add3A_35 : vector<128x768xf32>
    %swap3A = arith.constant 0 : index
    %swap3A_37 = arith.constant 0 : index
    %swap3A_38 = vector.load %arg7[%swap3A, %swap3A_37] : memref<128x768xf32, #tpu.memory_space<vmem>>, vector<128x768xf32>
    tpu.vector_store %arg7[%swap3A, %swap3A_37], %add3A_36 {strides = array<i32>} : memref<128x768xf32, #tpu.memory_space<vmem>>, vector<128x768xf32>,
    return
  }
  func.func @transform_0(%arg0: i32, %arg1: memref<24xi32, #tpu.memory_space<smem>>) -> (i32, i32) {
    %c0_i32 = arith.constant 0 : i32
    %c0_i32_0 = arith.constant 0 : i32
    return %arg0, %c0_i32 : i32, i32
  }
  func.func @transform_1(%arg0: i32, %arg1: memref<24xi32, #tpu.memory_space<smem>>) -> (i32, i32, i32) {
    %get3A = arith.index_cast %arg0 : i32 to index
    %get3A_0 = memref.load %arg1[%get3A] : memref<24xi32, #tpu.memory_space<smem>>
    %c0_i32 = arith.constant 0 : i32
    %c0_i32_1 = arith.constant 0 : i32
    %c0_i32_2 = arith.constant 0 : i32
    return %get3A_0, %c0_i32, %c0_i32_1 : i32, i32, i32
  }
  func.func @transform_2(%arg0: i32, %arg1: memref<24xi32, #tpu.memory_space<smem>>) -> (i32, i32, i32) {
    %get3A = arith.index_cast %arg0 : i32 to index
    %get3A_0 = memref.load %arg1[%get3A] : memref<24xi32, #tpu.memory_space<smem>>
    %c0_i32 = arith.constant 0 : i32
    %c0_i32_1 = arith.constant 0 : i32
    %c0_i32_2 = arith.constant 0 : i32
    return %get3A_0, %c0_i32, %c0_i32_1 : i32, i32, i32
  }
  func.func @transform_3(%arg0: i32, %arg1: memref<24xi32, #tpu.memory_space<smem>>) -> (i32, i32, i32) {
    %get3A = arith.index_cast %arg0 : i32 to index
    %get3A_0 = memref.load %arg1[%get3A] : memref<24xi32, #tpu.memory_space<smem>>
    %c0_i32 = arith.constant 0 : i32
    %c0_i32_1 = arith.constant 0 : i32
    %c0_i32_2 = arith.constant 0 : i32
    return %get3A_0, %c0_i32, %c0_i32_1 : i32, i32, i32
  }
  func.func @transform_4(%arg0: i32, %arg1: memref<24xi32, #tpu.memory_space<smem>>) -> (i32, i32, i32) {
    %get3A = arith.index_cast %arg0 : i32 to index
    %get3A_0 = memref.load %arg1[%get3A] : memref<24xi32, #tpu.memory_space<smem>>
    %c0_i32 = arith.constant 0 : i32
    %c0_i32_1 = arith.constant 0 : i32
    %c0_i32_2 = arith.constant 0 : i32
    return %get3A_0, %c0_i32, %c0_i32_1 : i32, i32, i32
  }
  func.func @transform_5(%arg0: i32, %arg1: memref<24xi32, #tpu.memory_space<smem>>) -> (i32, i32) {
    %c0_i32 = arith.constant 0 : i32
    %c0_i32_0 = arith.constant 0 : i32
    return %arg0, %c0_i32 : i32, i32
  }
}

module attributes {stable_mosaic.version = 14 : i64} {
  func.func @_gate_body(%arg0: memref<2048x768xf32, #tpu.memory_space<vmem>>, %arg1: memref<768x8xf32, #tpu.memory_space<vmem>>, %arg2: memref<1x8xf32, #tpu.memory_space<vmem>>, %arg3: memref<2048x3xf32, #tpu.memory_space<vmem>>, %arg4: memref<2048xi32, #tpu.memory_space<vmem>>, %arg5: memref<24xi32, #tpu.memory_space<vmem>>, %arg6: memref<1x1xf32, #tpu.memory_space<vmem>>) attributes {dimension_semantics = [], scalar_prefetch = 0 : i64, scratch_operands = 0 : i64, tpu.core_type = #tpu.core_type<tc>} {
    %get3A = arith.constant 0 : index
    %get3A_0 = arith.constant 0 : index
    %get3A_1 = vector.load %arg0[%get3A, %get3A_0] : memref<2048x768xf32, #tpu.memory_space<vmem>>, vector<2048x768xf32>
    %get3A_2 = arith.constant 0 : index
    %get3A_3 = arith.constant 0 : index
    %get3A_4 = vector.load %arg1[%get3A_2, %get3A_3] : memref<768x8xf32, #tpu.memory_space<vmem>>, vector<768x8xf32>
    %dot_general3A = arith.constant dense<0.000000e+00> : vector<2048x8xf32>
    %dot_general3A_5 = tpu.matmul %get3A_1, %get3A_4, %dot_general3A {dimension_numbers = #tpu.dot_dimension_numbers<[1], [0], [0], [1], [0, 0, 1, 1], [], []>, transpose_lhs_hint = false} : vector<2048x768xf32>, vector<768x8xf32>, vector<2048x8xf32> -> vector<2048x8xf32>
    %get3A_6 = arith.constant 0 : index
    %get3A_7 = arith.constant 0 : index
    %get3A_8 = vector.load %arg2[%get3A_6, %get3A_7] : memref<1x8xf32, #tpu.memory_space<vmem>>, vector<1x8xf32>
    %add3A = vector.broadcast %get3A_8 : vector<1x8xf32> to vector<2048x8xf32>
    %add3A_9 = arith.addf %dot_general3A_5, %add3A : vector<2048x8xf32>
    %reduce_max3A = arith.constant dense<0xFF800000> : vector<2048xf32>
    %reduce_max3A_10 = vector.multi_reduction <maximumf>, %add3A_9, %reduce_max3A [1] : vector<2048x8xf32> to vector<2048xf32>
    %broadcast_in_dim3A = vector.shape_cast %reduce_max3A_10 : vector<2048xf32> to vector<2048x1xf32>
    %sub3A = vector.broadcast %broadcast_in_dim3A : vector<2048x1xf32> to vector<2048x8xf32>
    %sub3A_11 = arith.subf %add3A_9, %sub3A : vector<2048x8xf32>
    %exp3A = math.exp %sub3A_11 : vector<2048x8xf32>
    %reduce_sum3A = arith.constant dense<0.000000e+00> : vector<2048xf32>
    %reduce_sum3A_12 = vector.multi_reduction <add>, %exp3A, %reduce_sum3A [1] : vector<2048x8xf32> to vector<2048xf32>
    %broadcast_in_dim3A_13 = vector.shape_cast %reduce_sum3A_12 : vector<2048xf32> to vector<2048x1xf32>
    %div3A = vector.broadcast %broadcast_in_dim3A_13 : vector<2048x1xf32> to vector<2048x8xf32>
    %div3A_14 = arith.divf %exp3A, %div3A : vector<2048x8xf32>
    %iota3A = tpu.iota {dimensions = array<i32: 1>} : vector<1x8xi32>
    %reduce_max3A_15 = arith.constant dense<0xFF800000> : vector<2048xf32>
    %reduce_max3A_16 = vector.multi_reduction <maximumf>, %add3A_9, %reduce_max3A_15 [1] : vector<2048x8xf32> to vector<2048xf32>
    %broadcast_in_dim3A_17 = vector.shape_cast %reduce_max3A_16 : vector<2048xf32> to vector<2048x1xf32>
    %ge3A = vector.broadcast %broadcast_in_dim3A_17 : vector<2048x1xf32> to vector<2048x8xf32>
    %ge3A_18 = arith.cmpf oge, %add3A_9, %ge3A : vector<2048x8xf32>
    %jit3A = arith.constant 8 : i32
    %broadcast_in_dim3A_19 = vector.shape_cast %iota3A : vector<1x8xi32> to vector<1x8xi32>
    %broadcast_in_dim3A_20 = vector.broadcast %broadcast_in_dim3A_19 : vector<1x8xi32> to vector<2048x8xi32>
    %broadcast_in_dim3A_21 = vector.broadcast %jit3A : i32 to vector<2048x8xi32>
    %select_n3A = arith.select %ge3A_18, %broadcast_in_dim3A_20, %broadcast_in_dim3A_21 : vector<2048x8xi1>, vector<2048x8xi32>
    %reduce_min3A = arith.constant dense<2147483647> : vector<2048xi32>
    %reduce_min3A_22 = vector.multi_reduction <minsi>, %select_n3A, %reduce_min3A [1] : vector<2048x8xi32> to vector<2048xi32>
    %broadcast_in_dim3A_23 = vector.shape_cast %reduce_min3A_22 : vector<2048xi32> to vector<2048x1xi32>
    %add3A_24 = arith.constant 1.000000e-10 : f32
    %add3A_25 = vector.broadcast %add3A_24 : f32 to vector<2048x8xf32>
    %add3A_26 = arith.addf %div3A_14, %add3A_25 : vector<2048x8xf32>
    %log3A = math.log %add3A_26 : vector<2048x8xf32>
    %mul3A = arith.mulf %div3A_14, %log3A : vector<2048x8xf32>
    %reduce_sum3A_27 = arith.constant dense<0.000000e+00> : vector<2048xf32>
    %reduce_sum3A_28 = vector.multi_reduction <add>, %mul3A, %reduce_sum3A_27 [1] : vector<2048x8xf32> to vector<2048xf32>
    %neg3A = arith.constant 0.000000e+00 : f32
    %neg3A_29 = vector.broadcast %neg3A : f32 to vector<2048xf32>
    %neg3A_30 = arith.subf %neg3A_29, %reduce_sum3A_28 : vector<2048xf32>
    %get3A_31 = arith.constant 0 : index
    %get3A_32 = arith.constant 0 : index
    %get3A_33 = vector.load %arg3[%get3A_31, %get3A_32] : memref<2048x3xf32, #tpu.memory_space<vmem>>, vector<2048x1xf32>
    %get3A_34 = vector.shape_cast %get3A_33 : vector<2048x1xf32> to vector<2048xf32>
    %gt3A = arith.constant 0.000000e+00 : f32
    %gt3A_35 = vector.broadcast %gt3A : f32 to vector<2048xf32>
    %gt3A_36 = arith.cmpf ogt, %get3A_34, %gt3A_35 : vector<2048xf32>
    %convert_element_type3A = arith.extui %gt3A_36 : vector<2048xi1> to vector<2048xi32>
    %convert_element_type3A_37 = arith.sitofp %convert_element_type3A : vector<2048xi32> to vector<2048xf32>
    %reduce_sum3A_38 = vector.shape_cast %convert_element_type3A_37 : vector<2048xf32> to vector<1x2048xf32>
    %reduce_sum3A_39 = arith.constant dense<0.000000e+00> : vector<1xf32>
    %reduce_sum3A_40 = vector.multi_reduction <add>, %reduce_sum3A_38, %reduce_sum3A_39 [1] : vector<1x2048xf32> to vector<1xf32>
    %reduce_sum3A_41 = vector.shape_cast %reduce_sum3A_40 : vector<1xf32> to vector<1x1xf32>
    %reduce_sum3A_42 = vector.extract %reduce_sum3A_41[0, 0] : f32 from vector<1x1xf32>
    %max3A = arith.constant 1.000000e+00 : f32
    %max3A_43 = arith.maximumf %reduce_sum3A_42, %max3A : f32
    %mul3A_44 = arith.mulf %neg3A_30, %convert_element_type3A_37 : vector<2048xf32>
    %reduce_sum3A_45 = vector.shape_cast %mul3A_44 : vector<2048xf32> to vector<1x2048xf32>
    %reduce_sum3A_46 = arith.constant dense<0.000000e+00> : vector<1xf32>
    %reduce_sum3A_47 = vector.multi_reduction <add>, %reduce_sum3A_45, %reduce_sum3A_46 [1] : vector<1x2048xf32> to vector<1xf32>
    %reduce_sum3A_48 = vector.shape_cast %reduce_sum3A_47 : vector<1xf32> to vector<1x1xf32>
    %reduce_sum3A_49 = vector.extract %reduce_sum3A_48[0, 0] : f32 from vector<1x1xf32>
    %div3A_50 = arith.divf %reduce_sum3A_49, %max3A_43 : f32
    %broadcast_in_dim3A_51 = vector.shape_cast %convert_element_type3A_37 : vector<2048xf32> to vector<2048x1xf32>
    %mul3A_52 = vector.broadcast %broadcast_in_dim3A_51 : vector<2048x1xf32> to vector<2048x8xf32>
    %mul3A_53 = arith.mulf %div3A_14, %mul3A_52 : vector<2048x8xf32>
    %reduce_sum3A_54 = arith.constant dense<0.000000e+00> : vector<8xf32>
    %reduce_sum3A_55 = vector.multi_reduction <add>, %mul3A_53, %reduce_sum3A_54 [0] : vector<2048x8xf32> to vector<8xf32>
    %div3A_56 = vector.broadcast %max3A_43 : f32 to vector<8xf32>
    %div3A_57 = arith.divf %reduce_sum3A_55, %div3A_56 : vector<8xf32>
    %add3A_58 = arith.constant 1.000000e-10 : f32
    %add3A_59 = vector.broadcast %add3A_58 : f32 to vector<8xf32>
    %add3A_60 = arith.addf %div3A_57, %add3A_59 : vector<8xf32>
    %log3A_61 = math.log %add3A_60 : vector<8xf32>
    %mul3A_62 = arith.mulf %div3A_57, %log3A_61 : vector<8xf32>
    %reduce_sum3A_63 = vector.shape_cast %mul3A_62 : vector<8xf32> to vector<1x8xf32>
    %reduce_sum3A_64 = arith.constant dense<0.000000e+00> : vector<1xf32>
    %reduce_sum3A_65 = vector.multi_reduction <add>, %reduce_sum3A_63, %reduce_sum3A_64 [1] : vector<1x8xf32> to vector<1xf32>
    %reduce_sum3A_66 = vector.shape_cast %reduce_sum3A_65 : vector<1xf32> to vector<1x1xf32>
    %reduce_sum3A_67 = vector.extract %reduce_sum3A_66[0, 0] : f32 from vector<1x1xf32>
    %neg3A_68 = arith.constant 0.000000e+00 : f32
    %neg3A_69 = arith.subf %neg3A_68, %reduce_sum3A_67 : f32
    %add3A_70 = arith.constant 1.38629436 : f32
    %add3A_71 = arith.addf %add3A_70, %neg3A_69 : f32
    %max3A_72 = arith.constant 0.000000e+00 : f32
    %max3A_73 = arith.maximumf %add3A_71, %max3A_72 : f32
    %add3A_74 = arith.addf %div3A_50, %max3A_73 : f32
    %gt3A_75 = arith.constant 0.000000e+00 : f32
    %gt3A_76 = arith.cmpf ogt, %reduce_sum3A_42, %gt3A_75 : f32
    %convert_element_type3A_77 = arith.extui %gt3A_76 : i1 to i32
    %convert_element_type3A_78 = arith.sitofp %convert_element_type3A_77 : i32 to f32
    %mul3A_79 = arith.mulf %convert_element_type3A_78, %add3A_74 : f32
    %add3A_80 = arith.constant 0.000000e+00 : f32
    %add3A_81 = arith.addf %add3A_80, %mul3A_79 : f32
    %add3A_82 = arith.constant 0.000000e+00 : f32
    %add3A_83 = arith.addf %add3A_82, %convert_element_type3A_78 : f32
    %get3A_84 = arith.constant 0 : index
    %get3A_85 = arith.constant 1 : index
    %get3A_86 = vector.load %arg3[%get3A_84, %get3A_85] : memref<2048x3xf32, #tpu.memory_space<vmem>>, vector<2048x1xf32>
    %get3A_87 = vector.shape_cast %get3A_86 : vector<2048x1xf32> to vector<2048xf32>
    %gt3A_88 = arith.constant 0.000000e+00 : f32
    %gt3A_89 = vector.broadcast %gt3A_88 : f32 to vector<2048xf32>
    %gt3A_90 = arith.cmpf ogt, %get3A_87, %gt3A_89 : vector<2048xf32>
    %convert_element_type3A_91 = arith.extui %gt3A_90 : vector<2048xi1> to vector<2048xi32>
    %convert_element_type3A_92 = arith.sitofp %convert_element_type3A_91 : vector<2048xi32> to vector<2048xf32>
    %reduce_sum3A_93 = vector.shape_cast %convert_element_type3A_92 : vector<2048xf32> to vector<1x2048xf32>
    %reduce_sum3A_94 = arith.constant dense<0.000000e+00> : vector<1xf32>
    %reduce_sum3A_95 = vector.multi_reduction <add>, %reduce_sum3A_93, %reduce_sum3A_94 [1] : vector<1x2048xf32> to vector<1xf32>
    %reduce_sum3A_96 = vector.shape_cast %reduce_sum3A_95 : vector<1xf32> to vector<1x1xf32>
    %reduce_sum3A_97 = vector.extract %reduce_sum3A_96[0, 0] : f32 from vector<1x1xf32>
    %max3A_98 = arith.constant 1.000000e+00 : f32
    %max3A_99 = arith.maximumf %reduce_sum3A_97, %max3A_98 : f32
    %mul3A_100 = arith.mulf %neg3A_30, %convert_element_type3A_92 : vector<2048xf32>
    %reduce_sum3A_101 = vector.shape_cast %mul3A_100 : vector<2048xf32> to vector<1x2048xf32>
    %reduce_sum3A_102 = arith.constant dense<0.000000e+00> : vector<1xf32>
    %reduce_sum3A_103 = vector.multi_reduction <add>, %reduce_sum3A_101, %reduce_sum3A_102 [1] : vector<1x2048xf32> to vector<1xf32>
    %reduce_sum3A_104 = vector.shape_cast %reduce_sum3A_103 : vector<1xf32> to vector<1x1xf32>
    %reduce_sum3A_105 = vector.extract %reduce_sum3A_104[0, 0] : f32 from vector<1x1xf32>
    %div3A_106 = arith.divf %reduce_sum3A_105, %max3A_99 : f32
    %broadcast_in_dim3A_107 = vector.shape_cast %convert_element_type3A_92 : vector<2048xf32> to vector<2048x1xf32>
    %mul3A_108 = vector.broadcast %broadcast_in_dim3A_107 : vector<2048x1xf32> to vector<2048x8xf32>
    %mul3A_109 = arith.mulf %div3A_14, %mul3A_108 : vector<2048x8xf32>
    %reduce_sum3A_110 = arith.constant dense<0.000000e+00> : vector<8xf32>
    %reduce_sum3A_111 = vector.multi_reduction <add>, %mul3A_109, %reduce_sum3A_110 [0] : vector<2048x8xf32> to vector<8xf32>
    %div3A_112 = vector.broadcast %max3A_99 : f32 to vector<8xf32>
    %div3A_113 = arith.divf %reduce_sum3A_111, %div3A_112 : vector<8xf32>
    %add3A_114 = arith.constant 1.000000e-10 : f32
    %add3A_115 = vector.broadcast %add3A_114 : f32 to vector<8xf32>
    %add3A_116 = arith.addf %div3A_113, %add3A_115 : vector<8xf32>
    %log3A_117 = math.log %add3A_116 : vector<8xf32>
    %mul3A_118 = arith.mulf %div3A_113, %log3A_117 : vector<8xf32>
    %reduce_sum3A_119 = vector.shape_cast %mul3A_118 : vector<8xf32> to vector<1x8xf32>
    %reduce_sum3A_120 = arith.constant dense<0.000000e+00> : vector<1xf32>
    %reduce_sum3A_121 = vector.multi_reduction <add>, %reduce_sum3A_119, %reduce_sum3A_120 [1] : vector<1x8xf32> to vector<1xf32>
    %reduce_sum3A_122 = vector.shape_cast %reduce_sum3A_121 : vector<1xf32> to vector<1x1xf32>
    %reduce_sum3A_123 = vector.extract %reduce_sum3A_122[0, 0] : f32 from vector<1x1xf32>
    %neg3A_124 = arith.constant 0.000000e+00 : f32
    %neg3A_125 = arith.subf %neg3A_124, %reduce_sum3A_123 : f32
    %add3A_126 = arith.constant 1.38629436 : f32
    %add3A_127 = arith.addf %add3A_126, %neg3A_125 : f32
    %max3A_128 = arith.constant 0.000000e+00 : f32
    %max3A_129 = arith.maximumf %add3A_127, %max3A_128 : f32
    %add3A_130 = arith.addf %div3A_106, %max3A_129 : f32
    %gt3A_131 = arith.constant 0.000000e+00 : f32
    %gt3A_132 = arith.cmpf ogt, %reduce_sum3A_97, %gt3A_131 : f32
    %convert_element_type3A_133 = arith.extui %gt3A_132 : i1 to i32
    %convert_element_type3A_134 = arith.sitofp %convert_element_type3A_133 : i32 to f32
    %mul3A_135 = arith.mulf %convert_element_type3A_134, %add3A_130 : f32
    %add3A_136 = arith.addf %add3A_81, %mul3A_135 : f32
    %add3A_137 = arith.addf %add3A_83, %convert_element_type3A_134 : f32
    %get3A_138 = arith.constant 0 : index
    %get3A_139 = arith.constant 2 : index
    %get3A_140 = vector.load %arg3[%get3A_138, %get3A_139] : memref<2048x3xf32, #tpu.memory_space<vmem>>, vector<2048x1xf32>
    %get3A_141 = vector.shape_cast %get3A_140 : vector<2048x1xf32> to vector<2048xf32>
    %gt3A_142 = arith.constant 0.000000e+00 : f32
    %gt3A_143 = vector.broadcast %gt3A_142 : f32 to vector<2048xf32>
    %gt3A_144 = arith.cmpf ogt, %get3A_141, %gt3A_143 : vector<2048xf32>
    %convert_element_type3A_145 = arith.extui %gt3A_144 : vector<2048xi1> to vector<2048xi32>
    %convert_element_type3A_146 = arith.sitofp %convert_element_type3A_145 : vector<2048xi32> to vector<2048xf32>
    %reduce_sum3A_147 = vector.shape_cast %convert_element_type3A_146 : vector<2048xf32> to vector<1x2048xf32>
    %reduce_sum3A_148 = arith.constant dense<0.000000e+00> : vector<1xf32>
    %reduce_sum3A_149 = vector.multi_reduction <add>, %reduce_sum3A_147, %reduce_sum3A_148 [1] : vector<1x2048xf32> to vector<1xf32>
    %reduce_sum3A_150 = vector.shape_cast %reduce_sum3A_149 : vector<1xf32> to vector<1x1xf32>
    %reduce_sum3A_151 = vector.extract %reduce_sum3A_150[0, 0] : f32 from vector<1x1xf32>
    %max3A_152 = arith.constant 1.000000e+00 : f32
    %max3A_153 = arith.maximumf %reduce_sum3A_151, %max3A_152 : f32
    %mul3A_154 = arith.mulf %neg3A_30, %convert_element_type3A_146 : vector<2048xf32>
    %reduce_sum3A_155 = vector.shape_cast %mul3A_154 : vector<2048xf32> to vector<1x2048xf32>
    %reduce_sum3A_156 = arith.constant dense<0.000000e+00> : vector<1xf32>
    %reduce_sum3A_157 = vector.multi_reduction <add>, %reduce_sum3A_155, %reduce_sum3A_156 [1] : vector<1x2048xf32> to vector<1xf32>
    %reduce_sum3A_158 = vector.shape_cast %reduce_sum3A_157 : vector<1xf32> to vector<1x1xf32>
    %reduce_sum3A_159 = vector.extract %reduce_sum3A_158[0, 0] : f32 from vector<1x1xf32>
    %div3A_160 = arith.divf %reduce_sum3A_159, %max3A_153 : f32
    %broadcast_in_dim3A_161 = vector.shape_cast %convert_element_type3A_146 : vector<2048xf32> to vector<2048x1xf32>
    %mul3A_162 = vector.broadcast %broadcast_in_dim3A_161 : vector<2048x1xf32> to vector<2048x8xf32>
    %mul3A_163 = arith.mulf %div3A_14, %mul3A_162 : vector<2048x8xf32>
    %reduce_sum3A_164 = arith.constant dense<0.000000e+00> : vector<8xf32>
    %reduce_sum3A_165 = vector.multi_reduction <add>, %mul3A_163, %reduce_sum3A_164 [0] : vector<2048x8xf32> to vector<8xf32>
    %div3A_166 = vector.broadcast %max3A_153 : f32 to vector<8xf32>
    %div3A_167 = arith.divf %reduce_sum3A_165, %div3A_166 : vector<8xf32>
    %add3A_168 = arith.constant 1.000000e-10 : f32
    %add3A_169 = vector.broadcast %add3A_168 : f32 to vector<8xf32>
    %add3A_170 = arith.addf %div3A_167, %add3A_169 : vector<8xf32>
    %log3A_171 = math.log %add3A_170 : vector<8xf32>
    %mul3A_172 = arith.mulf %div3A_167, %log3A_171 : vector<8xf32>
    %reduce_sum3A_173 = vector.shape_cast %mul3A_172 : vector<8xf32> to vector<1x8xf32>
    %reduce_sum3A_174 = arith.constant dense<0.000000e+00> : vector<1xf32>
    %reduce_sum3A_175 = vector.multi_reduction <add>, %reduce_sum3A_173, %reduce_sum3A_174 [1] : vector<1x8xf32> to vector<1xf32>
    %reduce_sum3A_176 = vector.shape_cast %reduce_sum3A_175 : vector<1xf32> to vector<1x1xf32>
    %reduce_sum3A_177 = vector.extract %reduce_sum3A_176[0, 0] : f32 from vector<1x1xf32>
    %neg3A_178 = arith.constant 0.000000e+00 : f32
    %neg3A_179 = arith.subf %neg3A_178, %reduce_sum3A_177 : f32
    %add3A_180 = arith.constant 1.38629436 : f32
    %add3A_181 = arith.addf %add3A_180, %neg3A_179 : f32
    %max3A_182 = arith.constant 0.000000e+00 : f32
    %max3A_183 = arith.maximumf %add3A_181, %max3A_182 : f32
    %add3A_184 = arith.addf %div3A_160, %max3A_183 : f32
    %gt3A_185 = arith.constant 0.000000e+00 : f32
    %gt3A_186 = arith.cmpf ogt, %reduce_sum3A_151, %gt3A_185 : f32
    %convert_element_type3A_187 = arith.extui %gt3A_186 : i1 to i32
    %convert_element_type3A_188 = arith.sitofp %convert_element_type3A_187 : i32 to f32
    %mul3A_189 = arith.mulf %convert_element_type3A_188, %add3A_184 : f32
    %add3A_190 = arith.addf %add3A_136, %mul3A_189 : f32
    %add3A_191 = arith.addf %add3A_137, %convert_element_type3A_188 : f32
    %max3A_192 = arith.constant 1.000000e+00 : f32
    %max3A_193 = arith.maximumf %add3A_191, %max3A_192 : f32
    %div3A_194 = arith.divf %add3A_190, %max3A_193 : f32
    %broadcast_in_dim3A_195 = arith.constant 1.000000e+00 : f32
    %broadcast_in_dim3A_196 = vector.broadcast %broadcast_in_dim3A_195 : f32 to vector<1x1xf32>
    %mul3A_197 = vector.broadcast %div3A_194 : f32 to vector<1x1xf32>
    %mul3A_198 = arith.mulf %mul3A_197, %broadcast_in_dim3A_196 : vector<1x1xf32>
    %swap3A = arith.constant 0 : index
    %swap3A_199 = arith.constant 0 : index
    %swap3A_200 = vector.load %arg6[%swap3A, %swap3A_199] : memref<1x1xf32, #tpu.memory_space<vmem>>, vector<1x1xf32>
    tpu.vector_store %arg6[%swap3A, %swap3A_199], %mul3A_198 {strides = array<i32>} : memref<1x1xf32, #tpu.memory_space<vmem>>, vector<1x1xf32>,
    %eq3A = vector.broadcast %broadcast_in_dim3A_23 : vector<2048x1xi32> to vector<2048x8xi32>
    %eq3A_201 = vector.broadcast %iota3A : vector<1x8xi32> to vector<2048x8xi32>
    %eq3A_202 = arith.cmpi eq, %eq3A, %eq3A_201 : vector<2048x8xi32>
    %convert_element_type3A_203 = arith.extui %eq3A_202 : vector<2048x8xi1> to vector<2048x8xi32>
    %convert_element_type3A_204 = arith.sitofp %convert_element_type3A_203 : vector<2048x8xi32> to vector<2048x8xf32>
    %broadcast_in_dim3A_205 = arith.constant 0.000000e+00 : f32
    %broadcast_in_dim3A_206 = vector.broadcast %broadcast_in_dim3A_205 : f32 to vector<1x8xf32>
    %slice3A = vector.extract_strided_slice %convert_element_type3A_204 {offsets = [0, 0], sizes = [2047, 8], strides = [1, 1]} : vector<2048x8xf32> to vector<2047x8xf32>
    %concatenate3A = tpu.concatenate %broadcast_in_dim3A_206, %slice3A in 0 : vector<1x8xf32>, vector<2047x8xf32> -> vector<2048x8xf32>
    %add3A_207 = arith.addf %convert_element_type3A_204, %concatenate3A : vector<2048x8xf32>
    %broadcast_in_dim3A_208 = arith.constant 0.000000e+00 : f32
    %broadcast_in_dim3A_209 = vector.broadcast %broadcast_in_dim3A_208 : f32 to vector<2x8xf32>
    %slice3A_210 = vector.extract_strided_slice %add3A_207 {offsets = [0, 0], sizes = [2046, 8], strides = [1, 1]} : vector<2048x8xf32> to vector<2046x8xf32>
    %concatenate3A_211 = tpu.concatenate %broadcast_in_dim3A_209, %slice3A_210 in 0 : vector<2x8xf32>, vector<2046x8xf32> -> vector<2048x8xf32>
    %add3A_212 = arith.addf %add3A_207, %concatenate3A_211 : vector<2048x8xf32>
    %broadcast_in_dim3A_213 = arith.constant 0.000000e+00 : f32
    %broadcast_in_dim3A_214 = vector.broadcast %broadcast_in_dim3A_213 : f32 to vector<4x8xf32>
    %slice3A_215 = vector.extract_strided_slice %add3A_212 {offsets = [0, 0], sizes = [2044, 8], strides = [1, 1]} : vector<2048x8xf32> to vector<2044x8xf32>
    %concatenate3A_216 = tpu.concatenate %broadcast_in_dim3A_214, %slice3A_215 in 0 : vector<4x8xf32>, vector<2044x8xf32> -> vector<2048x8xf32>
    %add3A_217 = arith.addf %add3A_212, %concatenate3A_216 : vector<2048x8xf32>
    %broadcast_in_dim3A_218 = arith.constant 0.000000e+00 : f32
    %broadcast_in_dim3A_219 = vector.broadcast %broadcast_in_dim3A_218 : f32 to vector<8x8xf32>
    %slice3A_220 = vector.extract_strided_slice %add3A_217 {offsets = [0, 0], sizes = [2040, 8], strides = [1, 1]} : vector<2048x8xf32> to vector<2040x8xf32>
    %concatenate3A_221 = tpu.concatenate %broadcast_in_dim3A_219, %slice3A_220 in 0 : vector<8x8xf32>, vector<2040x8xf32> -> vector<2048x8xf32>
    %add3A_222 = arith.addf %add3A_217, %concatenate3A_221 : vector<2048x8xf32>
    %broadcast_in_dim3A_223 = arith.constant 0.000000e+00 : f32
    %broadcast_in_dim3A_224 = vector.broadcast %broadcast_in_dim3A_223 : f32 to vector<16x8xf32>
    %slice3A_225 = vector.extract_strided_slice %add3A_222 {offsets = [0, 0], sizes = [2032, 8], strides = [1, 1]} : vector<2048x8xf32> to vector<2032x8xf32>
    %concatenate3A_226 = tpu.concatenate %broadcast_in_dim3A_224, %slice3A_225 in 0 : vector<16x8xf32>, vector<2032x8xf32> -> vector<2048x8xf32>
    %add3A_227 = arith.addf %add3A_222, %concatenate3A_226 : vector<2048x8xf32>
    %broadcast_in_dim3A_228 = arith.constant 0.000000e+00 : f32
    %broadcast_in_dim3A_229 = vector.broadcast %broadcast_in_dim3A_228 : f32 to vector<32x8xf32>
    %slice3A_230 = vector.extract_strided_slice %add3A_227 {offsets = [0, 0], sizes = [2016, 8], strides = [1, 1]} : vector<2048x8xf32> to vector<2016x8xf32>
    %concatenate3A_231 = tpu.concatenate %broadcast_in_dim3A_229, %slice3A_230 in 0 : vector<32x8xf32>, vector<2016x8xf32> -> vector<2048x8xf32>
    %add3A_232 = arith.addf %add3A_227, %concatenate3A_231 : vector<2048x8xf32>
    %broadcast_in_dim3A_233 = arith.constant 0.000000e+00 : f32
    %broadcast_in_dim3A_234 = vector.broadcast %broadcast_in_dim3A_233 : f32 to vector<64x8xf32>
    %slice3A_235 = vector.extract_strided_slice %add3A_232 {offsets = [0, 0], sizes = [1984, 8], strides = [1, 1]} : vector<2048x8xf32> to vector<1984x8xf32>
    %concatenate3A_236 = tpu.concatenate %broadcast_in_dim3A_234, %slice3A_235 in 0 : vector<64x8xf32>, vector<1984x8xf32> -> vector<2048x8xf32>
    %add3A_237 = arith.addf %add3A_232, %concatenate3A_236 : vector<2048x8xf32>
    %broadcast_in_dim3A_238 = arith.constant 0.000000e+00 : f32
    %broadcast_in_dim3A_239 = vector.broadcast %broadcast_in_dim3A_238 : f32 to vector<128x8xf32>
    %slice3A_240 = vector.extract_strided_slice %add3A_237 {offsets = [0, 0], sizes = [1920, 8], strides = [1, 1]} : vector<2048x8xf32> to vector<1920x8xf32>
    %concatenate3A_241 = tpu.concatenate %broadcast_in_dim3A_239, %slice3A_240 in 0 : vector<128x8xf32>, vector<1920x8xf32> -> vector<2048x8xf32>
    %add3A_242 = arith.addf %add3A_237, %concatenate3A_241 : vector<2048x8xf32>
    %broadcast_in_dim3A_243 = arith.constant 0.000000e+00 : f32
    %broadcast_in_dim3A_244 = vector.broadcast %broadcast_in_dim3A_243 : f32 to vector<256x8xf32>
    %slice3A_245 = vector.extract_strided_slice %add3A_242 {offsets = [0, 0], sizes = [1792, 8], strides = [1, 1]} : vector<2048x8xf32> to vector<1792x8xf32>
    %concatenate3A_246 = tpu.concatenate %broadcast_in_dim3A_244, %slice3A_245 in 0 : vector<256x8xf32>, vector<1792x8xf32> -> vector<2048x8xf32>
    %add3A_247 = arith.addf %add3A_242, %concatenate3A_246 : vector<2048x8xf32>
    %broadcast_in_dim3A_248 = arith.constant 0.000000e+00 : f32
    %broadcast_in_dim3A_249 = vector.broadcast %broadcast_in_dim3A_248 : f32 to vector<512x8xf32>
    %slice3A_250 = vector.extract_strided_slice %add3A_247 {offsets = [0, 0], sizes = [1536, 8], strides = [1, 1]} : vector<2048x8xf32> to vector<1536x8xf32>
    %concatenate3A_251 = tpu.concatenate %broadcast_in_dim3A_249, %slice3A_250 in 0 : vector<512x8xf32>, vector<1536x8xf32> -> vector<2048x8xf32>
    %add3A_252 = arith.addf %add3A_247, %concatenate3A_251 : vector<2048x8xf32>
    %broadcast_in_dim3A_253 = arith.constant 0.000000e+00 : f32
    %broadcast_in_dim3A_254 = vector.broadcast %broadcast_in_dim3A_253 : f32 to vector<1024x8xf32>
    %slice3A_255 = vector.extract_strided_slice %add3A_252 {offsets = [0, 0], sizes = [1024, 8], strides = [1, 1]} : vector<2048x8xf32> to vector<1024x8xf32>
    %concatenate3A_256 = tpu.concatenate %broadcast_in_dim3A_254, %slice3A_255 in 0 : vector<1024x8xf32>, vector<1024x8xf32> -> vector<2048x8xf32>
    %add3A_257 = arith.addf %add3A_252, %concatenate3A_256 : vector<2048x8xf32>
    %slice3A_258 = vector.extract_strided_slice %add3A_257 {offsets = [2047, 0], sizes = [1, 8], strides = [1, 1]} : vector<2048x8xf32> to vector<1x8xf32>
    %convert_element_type3A_259 = arith.fptosi %slice3A_258 : vector<1x8xf32> to vector<1x8xi32>
    %add3A_260 = arith.constant 128 : i32
    %add3A_261 = vector.broadcast %add3A_260 : i32 to vector<1x8xi32>
    %add3A_262 = arith.addi %convert_element_type3A_259, %add3A_261 : vector<1x8xi32>
    %sub3A_263 = arith.constant 1 : i32
    %sub3A_264 = vector.broadcast %sub3A_263 : i32 to vector<1x8xi32>
    %sub3A_265 = arith.subi %add3A_262, %sub3A_264 : vector<1x8xi32>
    %jit3A_266 = arith.constant 128 : i32
    %div3A_267 = vector.broadcast %jit3A_266 : i32 to vector<1x8xi32>
    %div3A_268 = arith.divsi %sub3A_265, %div3A_267 : vector<1x8xi32>
    %sign3A = arith.constant 0 : i32
    %sign3A_269 = vector.broadcast %sign3A : i32 to vector<1x8xi32>
    %sign3A_270 = arith.cmpi sgt, %sub3A_265, %sign3A_269 : vector<1x8xi32>
    %sign3A_271 = arith.extui %sign3A_270 : vector<1x8xi1> to vector<1x8xi32>
    %sign3A_272 = arith.constant 0 : i32
    %sign3A_273 = vector.broadcast %sign3A_272 : i32 to vector<1x8xi32>
    %sign3A_274 = arith.cmpi slt, %sub3A_265, %sign3A_273 : vector<1x8xi32>
    %sign3A_275 = arith.extui %sign3A_274 : vector<1x8xi1> to vector<1x8xi32>
    %sign3A_276 = arith.subi %sign3A_271, %sign3A_275 : vector<1x8xi32>
    %sign3A_277 = arith.constant 0 : i32
    %sign3A_278 = arith.cmpi sgt, %jit3A_266, %sign3A_277 : i32
    %sign3A_279 = arith.extui %sign3A_278 : i1 to i32
    %sign3A_280 = arith.constant 0 : i32
    %sign3A_281 = arith.cmpi slt, %jit3A_266, %sign3A_280 : i32
    %sign3A_282 = arith.extui %sign3A_281 : i1 to i32
    %sign3A_283 = arith.subi %sign3A_279, %sign3A_282 : i32
    %ne3A = vector.broadcast %sign3A_283 : i32 to vector<1x8xi32>
    %ne3A_284 = arith.cmpi ne, %sign3A_276, %ne3A : vector<1x8xi32>
    %rem3A = vector.broadcast %jit3A_266 : i32 to vector<1x8xi32>
    %rem3A_285 = arith.remsi %sub3A_265, %rem3A : vector<1x8xi32>
    %ne3A_286 = arith.constant 0 : i32
    %ne3A_287 = vector.broadcast %ne3A_286 : i32 to vector<1x8xi32>
    %ne3A_288 = arith.cmpi ne, %rem3A_285, %ne3A_287 : vector<1x8xi32>
    %and3A = arith.andi %ne3A_284, %ne3A_288 : vector<1x8xi1>
    %sub3A_289 = arith.constant 1 : i32
    %sub3A_290 = vector.broadcast %sub3A_289 : i32 to vector<1x8xi32>
    %sub3A_291 = arith.subi %div3A_268, %sub3A_290 : vector<1x8xi32>
    %select_n3A_292 = arith.select %and3A, %sub3A_291, %div3A_268 : vector<1x8xi1>, vector<1x8xi32>
    %iota3A_293 = tpu.iota {dimensions = array<i32: 0>} : vector<8x8xi32>
    %iota3A_294 = tpu.iota {dimensions = array<i32: 1>} : vector<8x8xi32>
    %lt3A = arith.cmpi slt, %iota3A_293, %iota3A_294 : vector<8x8xi32>
    %convert_element_type3A_295 = arith.extui %lt3A : vector<8x8xi1> to vector<8x8xi32>
    %reshape3A = vector.shape_cast %select_n3A_292 : vector<1x8xi32> to vector<8x1xi32>
    %mul3A_296 = vector.broadcast %reshape3A : vector<8x1xi32> to vector<8x8xi32>
    %mul3A_297 = arith.muli %mul3A_296, %convert_element_type3A_295 : vector<8x8xi32>
    %reduce_sum3A_298 = arith.constant dense<0> : vector<8xi32>
    %reduce_sum3A_299 = vector.multi_reduction <add>, %mul3A_297, %reduce_sum3A_298 [0] : vector<8x8xi32> to vector<8xi32>
    %broadcast_in_dim3A_300 = vector.shape_cast %reduce_sum3A_299 : vector<8xi32> to vector<1x8xi32>
    %mul3A_301 = arith.constant 128 : i32
    %mul3A_302 = vector.broadcast %mul3A_301 : i32 to vector<1x8xi32>
    %mul3A_303 = arith.muli %broadcast_in_dim3A_300, %mul3A_302 : vector<1x8xi32>
    %convert_element_type3A_304 = arith.sitofp %mul3A_303 : vector<1x8xi32> to vector<1x8xf32>
    %mul3A_305 = arith.mulf %convert_element_type3A_204, %add3A_257 : vector<2048x8xf32>
    %reduce_sum3A_306 = arith.constant dense<0.000000e+00> : vector<2048xf32>
    %reduce_sum3A_307 = vector.multi_reduction <add>, %mul3A_305, %reduce_sum3A_306 [1] : vector<2048x8xf32> to vector<2048xf32>
    %sub3A_308 = arith.constant 1.000000e+00 : f32
    %sub3A_309 = vector.broadcast %sub3A_308 : f32 to vector<2048xf32>
    %sub3A_310 = arith.subf %reduce_sum3A_307, %sub3A_309 : vector<2048xf32>
    %mul3A_311 = vector.broadcast %convert_element_type3A_304 : vector<1x8xf32> to vector<2048x8xf32>
    %mul3A_312 = arith.mulf %convert_element_type3A_204, %mul3A_311 : vector<2048x8xf32>
    %reduce_sum3A_313 = arith.constant dense<0.000000e+00> : vector<2048xf32>
    %reduce_sum3A_314 = vector.multi_reduction <add>, %mul3A_312, %reduce_sum3A_313 [1] : vector<2048x8xf32> to vector<2048xf32>
    %add3A_315 = arith.addf %reduce_sum3A_314, %sub3A_310 : vector<2048xf32>
    %convert_element_type3A_316 = arith.fptosi %add3A_315 : vector<2048xf32> to vector<2048xi32>
    %swap3A_317 = arith.constant 0 : index
    %swap3A_318 = vector.load %arg4[%swap3A_317] : memref<2048xi32, #tpu.memory_space<vmem>>, vector<2048xi32>
    tpu.vector_store %arg4[%swap3A_317], %convert_element_type3A_316 {strides = array<i32>} : memref<2048xi32, #tpu.memory_space<vmem>>, vector<2048xi32>,
    %iota3A_319 = tpu.iota {dimensions = array<i32: 0>} : vector<24x1xi32>
    %ge3A_320 = vector.broadcast %iota3A_319 : vector<24x1xi32> to vector<24x8xi32>
    %ge3A_321 = vector.broadcast %broadcast_in_dim3A_300 : vector<1x8xi32> to vector<24x8xi32>
    %ge3A_322 = arith.cmpi sge, %ge3A_320, %ge3A_321 : vector<24x8xi32>
    %convert_element_type3A_323 = arith.extui %ge3A_322 : vector<24x8xi1> to vector<24x8xi32>
    %reduce_sum3A_324 = arith.constant dense<0> : vector<24xi32>
    %reduce_sum3A_325 = vector.multi_reduction <add>, %convert_element_type3A_323, %reduce_sum3A_324 [1] : vector<24x8xi32> to vector<24xi32>
    %sub3A_326 = arith.constant 1 : i32
    %sub3A_327 = vector.broadcast %sub3A_326 : i32 to vector<24xi32>
    %sub3A_328 = arith.subi %reduce_sum3A_325, %sub3A_327 : vector<24xi32>
    %swap3A_329 = arith.constant 0 : index
    %swap3A_330 = vector.load %arg5[%swap3A_329] : memref<24xi32, #tpu.memory_space<vmem>>, vector<24xi32>
    tpu.vector_store %arg5[%swap3A_329], %sub3A_328 {strides = array<i32>} : memref<24xi32, #tpu.memory_space<vmem>>, vector<24xi32>,
    return
  }
}

</mosaic_0001>

<sc_bundles>
// kernel: kernel.6.cloned.1.call-start
scs
__scs_entry_jumppad:
0x0: {  	(pc) =	sbr.rel $0x88, $3  }
0x1: {  	(tag) =	ssettag $0x0;
	lr =	simm.s32 $0x1  }
0x2: {  	[smem:$0x3F99] =	sst lr;
	_ =	strace $0xD0000000  }
0x3: {  	_ = 	snop  }
0x4: {  	_ = 	snop  }
0x5: {  	_ = 	snop  }
0x6: {  	_ = 	snop  }
0x7: {  	_ = 	snop  }
__scs_overlays_trampoline_lowered:
0x8: {  	[smem:$0x3FA8] =	sst s0  }
0x9: {  	[smem:$0x3FA9] =	sst s1  }
0xa: {  	[smem:$0x3FAA] =	sst s2  }
0xb: {  	[smem:$0x3FAB] =	sst s3  }
0xc: {  	[smem:$0x3FAC] =	sst s4  }
0xd: {  	[smem:$0x3FAD] =	sst s5  }
0xe: {  	[smem:$0x3FAE] =	sst s6  }
0xf: {  	[smem:$0x3FAF] =	sst s7  }
0x10: {  	[smem:$0x3FB0] =	sst s8  }
0x11: {  	[smem:$0x3FB1] =	sst s9;
	s0 =	simm.s32 @!p0 $0x0  }
0x12: {  	s1 =	sld [smem:$0x3F97];
	s0 =	simm.s32 @p0 $0x1  }
0x13: {  	[smem:$0x3FB2] =	sst s0;
	s0 =	simm.s32 @!p1 $0x0  }
0x14: {  	s2 =	sld [smem:$0x3F96];
	s0 =	simm.s32 @p1 $0x1  }
0x15: {  	[smem:$0x3FB3] =	sst s0;
	s0 =	simm.s32 @!p2 $0x0  }
0x16: {  	s3 =	sld [smem:$0x3FDB];
	s0 =	simm.s32 @p2 $0x1  }
0x17: {  	s4 =	simm.s32 $0x1BF5;
	[smem:$0x3FB5] =	sst s0  }
0x18: {  	s0 =	sld [smem:$0x3F98];
	_ =	swait.ge [sflag:s4], $0x0  }
0x19: {  	s7 =	sld [smem:$0x3F99]  }
0x1a: {  	s8 =	sadd.s32 $0xFFFFE003, lr  }
0x1b: {  	s9 =	sadd.s32 $0xFFFFFEF7, lr;
	s5 =	simm.s32 $0xFFFFFFFF;
	p2 =	slt.u32 s8, $0xFFFFF086  }
0x1c: {  	p1 =	slt.u32 s9, $0xF7A;
	s5 =	simm.s32 @!p2 $0x0  }
0x1d: {  	s5 =	simm.s32 @p1 $0x1;
	p0 =	seq.s32 s7, s2  }
0x1e: {  	s7 =	smul.u32 @!p0 $0xF7A, s2;
	p2 =	seq.s32 @!p0 s5, $0x0  }
0x1f: {  	s9 =	smul.u32 $0xF7A, s1;
	s8 =	simm.s32 @!p0 $0x1BF5;
	p2 =	por !p2, p0  }
0x20: {  	[sflag:s8] =	ssyncset.s32 @!p0 $0xFFFFF086;
	s6 =	sadd.s32 @!p0 s3, s7;
	s7 =	simm.s32 @!p0 $0x108  }
0x21: {  	s3 =	sadd.s32 s3, s9;
	s6 =	sadd.s32 @!p0 $0x88, s6;
	s7 =	simm.s32 @p2 $0x1082  }
0x22: {  	[simem:s7], [sflag:s8] =	dma.local @!p0 [hbm:s6], $0xF7A  }
0x23: {  	s9 =	sor.u32 $0xD0000000, s2;
	s6 =	simm.s32 $0x108;
	_ =	swait.ge @!p0 [sflag:s8], $0x0  }
0x24: {  	s3 =	sadd.s32 $0x88, s3;
	s6 =	simm.s32 @!p1 $0x1082;
	[sflag:s4] =	ssyncset.s32 $0xFFFFF086  }
0x25: {  	[simem:s6], [sflag:s4] =	dma.local [hbm:s3], $0xF7A  }
0x26: {  	[smem:$0x3F99] =	sst s1;
	(tag) =	ssettag s2;
	_ =	strace s9  }
0x27: {  	s1 =	sld [smem:$0x3FA9]  }
0x28: {  	s2 =	sld [smem:$0x3FAA]  }
0x29: {  	s4 =	sld [smem:$0x3FAC]  }
0x2a: {  	p0 =	seq.s32 s5, $0x0;
	s5 =	sld [smem:$0x3FAD]  }
0x2b: {  	s6 =	sld [smem:$0x3FAE]  }
0x2c: {  	s7 =	sld [smem:$0x3FAF]  }
0x2d: {  	s3 =	simm.s32 $0x108;
	s8 =	sld [smem:$0x3FB0]  }
0x2e: {  	s3 =	simm.s32 @!p0 $0x1082;
	s9 =	sld [smem:$0x3FB1]  }
0x2f: {  	lr =	sadd.s32 s0, s3;
	s0 =	sld [smem:$0x3FA8]  }
0x30: {  	s3 =	sld [smem:$0x3FAB]  }
0x31: {  	[smem:$0x3FB4] =	sst s10  }
0x32: {  	s10 =	sld [smem:$0x3FB2];
	_ =	sdelay $0x3  }
0x33: {  	p0 =	seq.s32 s10, $0x1;
	s10 =	sld [smem:$0x3FB4];
	_ =	sdelay $0x3  }
0x34: {  	[smem:$0x3FB4] =	sst s10  }
0x35: {  	s10 =	sld [smem:$0x3FB3];
	_ =	sdelay $0x3  }
0x36: {  	p1 =	seq.s32 s10, $0x1;
	s10 =	sld [smem:$0x3FB4];
	_ =	sdelay $0x3  }
0x37: {  	[smem:$0x3FB4] =	sst s10  }
0x38: {  	s10 =	sld [smem:$0x3FB5]  }
0x39: {  	_ = 	snop;
	(pc) =	sbr.ind lr, $3  }
0x3a: {  	_ = 	snop  }
0x3b: {  	_ = 	snop  }
0x3c: {  	p2 =	seq.s32 s10, $0x1;
	s10 =	sld [smem:$0x3FB4]  }
0x3d: {  	_ =	shalt  }
0x3e: {  	_ =	shalt  }
0x3f: {  	_ =	shalt  }
0x40: {  	_ =	shalt  }
0x41: {  	_ =	shalt  }
0x42: {  	_ =	shalt  }
0x43: {  	_ =	shalt  }
0x44: {  	_ =	shalt  }
0x45: {  	_ =	shalt  }
0x46: {  	_ =	shalt  }
0x47: {  	_ =	shalt  }
0x48: {  	_ =	shalt  }
0x49: {  	_ =	shalt  }
0x4a: {  	_ =	shalt  }
0x4b: {  	_ =	shalt  }
0x4c: {  	_ =	shalt  }
0x4d: {  	_ =	shalt  }
0x4e: {  	_ =	shalt  }
0x4f: {  	_ =	shalt  }
0x50: {  	_ =	shalt  }
0x51: {  	_ =	shalt  }
0x52: {  	_ =	shalt  }
0x53: {  	_ =	shalt  }
0x54: {  	_ =	shalt  }
0x55: {  	_ =	shalt  }
0x56: {  	_ =	shalt  }
0x57: {  	_ =	shalt  }
0x58: {  	_ =	shalt  }
0x59: {  	_ =	shalt  }
0x5a: {  	_ =	shalt  }
0x5b: {  	_ =	shalt  }
0x5c: {  	_ =	shalt  }
0x5d: {  	_ =	shalt  }
0x5e: {  	_ =	shalt  }
0x5f: {  	_ =	shalt  }
0x60: {  	_ =	shalt  }
0x61: {  	_ =	shalt  }
0x62: {  	_ =	shalt  }
0x63: {  	_ =	shalt  }
0x64: {  	_ =	shalt  }
0x65: {  	_ =	shalt  }
0x66: {  	_ =	shalt  }
0x67: {  	_ =	shalt  }
0x68: {  	_ =	shalt  }
0x69: {  	_ =	shalt  }
0x6a: {  	_ =	shalt  }
0x6b: {  	_ =	shalt  }
0x6c: {  	_ =	shalt  }
0x6d: {  	_ =	shalt  }
0x6e: {  	_ =	shalt  }
0x6f: {  	_ =	shalt  }
0x70: {  	_ =	shalt  }
0x71: {  	_ =	shalt  }
0x72: {  	_ =	shalt  }
0x73: {  	_ =	shalt  }
0x74: {  	_ =	shalt  }
0x75: {  	_ =	shalt  }
0x76: {  	_ =	shalt  }
0x77: {  	_ =	shalt  }
0x78: {  	_ =	shalt  }
0x79: {  	_ =	shalt  }
0x7a: {  	_ =	shalt  }
0x7b: {  	_ =	shalt  }
0x7c: {  	_ =	shalt  }
0x7d: {  	_ =	shalt  }
0x7e: {  	_ =	shalt  }
0x7f: {  	_ =	shalt  }
0x80: {  	_ =	shalt  }
0x81: {  	_ =	shalt  }
0x82: {  	_ =	shalt  }
0x83: {  	_ =	shalt  }
0x84: {  	_ =	shalt  }
0x85: {  	_ =	shalt  }
0x86: {  	_ =	shalt  }
0x87: {  	_ =	shalt  }
.Lfunc_end0:
.L_simem_size_0:
called_computation_lowered:
.L_overlay_start_0:
0x88: {  	s2 =	sld [smem:$0x3FD9]  }
0x89: {  	s3 =	sld [smem:$0x3FFE];
	_ =	sdelay $0x1  }
0x8a: {  	s1 =	srdreg.scid  }
0x8b: {  	s0 =	sand.u32 $0x1, s1  }
0x8c: {  	s14 =	sshll.u32 s0, $0xA;
	s2 =	sadd.s32 s3, s2  }
0x8d: {  	s2 =	sadd.s32 s2, s14  }
0x8e: {  	[smem:$0x3FC0] =	sst s2  }
0x8f: {  	_ = 	snop  }
0x90: {  	s2 =	sld [smem:$0x3FD0];
	_ =	sdelay $0x2  }
0x91: {  	s4 =	simm.s32 $0xA;
	s5 =	simm.s32 $0x10;
	s15 =	sld [smem:$0x3FC9]  }
0x92: {  	[smem:s5], [sflag:s4] =	dma.local [hbm:s2], $0x1  }
0x93: {  	_ =	swait.eq [sflag:s4], $0x1  }
0x94: {  	[sflag:s4] =	ssyncset.done $0x0  }
0x95: {  	[sflag:s4] =	ssyncadd.s32 $0xFFFFFFFF  }
0x96: {  	s16 =	sld [smem:$0x10];
	(tm) =	ssettm $0x1  }
0x97: {  	s17 =	sld [smem:$0x3FFB];
	_ =	sdelay $0x3  }
0x98: {  	_ =	strace s17  }
0x99: {  	s4 =	sld [smem:$0x3FFC];
	_ =	sdelay $0x3  }
0x9a: {  	_ =	strace s4  }
0x9b: {  	s4 =	sld [smem:$0x3FFD];
	_ =	sdelay $0x3  }
0x9c: {  	_ =	strace s4  }
0x9d: {  	_ =	strace $0x8FFFFFFF  }
0x9e: {  	s18 =	sld [smem:$0x3FDB];
	_ =	sdelay $0x1  }
0x9f: {  	s19 =	simm.s32 $_scs_section_size  }
0xa0: {  	s6 =	simm.s32 $_size__tile_overlayer_lowered;
	s7 =	simm.s32 $_tile_overlayer_lowered  }
0xa1: {  	s22 =	simm.s32 $0x1BFF;
	s21 =	sshll.u32 s7, $0x1;
	s4 =	sadd.s32 s19, s18  }
0xa2: {  	s8 =	simm.s32 $0x0;
	s20 =	sshll.u32 s6, $0x1;
	s6 =	sadd.s32 s21, s4  }
0xa3: {  	[timem:s8], [sflag:s22] =	dma.local [hbm:s6], s20  }
0xa4: {  	_ =	swait.ge [sflag:s22], s20  }
0xa5: {  	s5 =	ssub.s32 $0x0, s20;
	[sflag:s22] =	ssyncset.done $0x0  }
0xa6: {  	[sflag:s22] =	ssyncadd.s32 s5;
	_ =	sdelay $0x1  }
0xa7: {  	s23 =	simm.s32 $0x1B8B  }
0xa8: {  	_ =	swait.ge [sflag:s23], $0x1  }
0xa9: {  	[sflag:s23] =	ssyncset.done $0x0  }
0xaa: {  	s25 =	simm.s32 $0x1B8E;
	s24 =	sld [smem:$0x3FFE];
	[sflag:s23] =	ssyncadd.s32 $0xFFFFFFFF  }
0xab: {  	s26 =	simm.s32 $execute0_lowered;
	[smem:$0x3FD2] =	sst s25  }
0xac: {  	s6 =	sshll.u32 s26, $0x1;
	_ =	strace $0x80000046;
	[dreg:$0x1] =	wrdreg $0xFFFFFFFF  }
0xad: {  	s28 =	simm.s32 $_size_execute0_lowered;
	s4 =	sadd.s32 s4, s6;
	[dreg:$0x0] =	wrdreg $0x0  }
0xae: {  	s6 =	sshll.u32 s28, $0x1;
	[dreg:$0x2] =	wrdreg s4  }
0xaf: {  	[dreg:$0x3] =	wrdreg s6  }
0xb0: {  	[dreg:$0x4] =	wrdreg $0xC0  }
0xb1: {  	_ =	task [dreg:s8], $0x5FFFF  }
0xb2: {  	[dreg:$0x1] =	wrdreg $0xFFFFFFFF  }
0xb3: {  	[dreg:$0x0] =	wrdreg $0x60  }
0xb4: {  	[dreg:$0x2] =	wrdreg s15  }
0xb5: {  	[dreg:$0x3] =	wrdreg s16  }
0xb6: {  	[dreg:$0x4] =	wrdreg s24  }
0xb7: {  	[dreg:$0x5] =	wrdreg $0x9  }
0xb8: {  	_ =	task.clear_ibuf [dreg:s8], $0x6FFFF;
	_ =	strace $0x90000046  }
0xb9: {  	s29 =	simm.s32 $0x9;
	_ =	strace $0x80000048  }
0xba: {  	_ =	swait.ge [sflag:s29], $0x1  }
0xbb: {  	[sflag:s29] =	ssyncadd.s32 $0xFFFFFFFF  }
0xbc: {  	_ =	strace $0x90000048  }
0xbd: {  	_ =	sfence  }
0xbe: {  	s30 =	sld [smem:$0x0];
	_ =	sdelay $0x2  }
0xbf: {  	s31 =	sshll.u32 s1, $0xD;
	s1 =	sshrl.u32 s1, $0x2  }
0xc0: {  	s3 =	sand.u32 $0x4000, s31;
	s1 =	sadd.s32 s1, s30  }
0xc1: {  	s0 =	sor.u32 s3, s0;
	s1 =	sshll.u32 s1, $0x11  }
0xc2: {  	s0 =	sor.u32 s1, s0  }
0xc3: {  	s0 =	sadd.s32 $0x8F2B, s0  }
0xc4: {  	[sflag:s0] =	ssyncadd.remote.s32 $0x1  }
0xc5: {  	_ =	sfence.sel $0xFFFF  }
0xc6: {  	[dreg:$0x0] =	wrdreg $0xFFFFFFFF;
	(pc) =	sbr.abs _section_cstart, $3  }
0xc7: {  	[dreg:$0x1] =	wrdreg $0xFFFFFFFF  }
0xc8: {  	_ =	task.clear_ibuf [dreg:s8], $0x2FFFF;
	_ =	strace $0x9FFFFFFF  }
0xc9: {  	(tm) =	ssettm $0x7FFFFFFF  }
tec
execute0_lowered:
.L_overlay_start_1:
0x0: {  	(tag) =	ssettag $0x1  }
0x1: {  	s1 =	rddreg [dreg:$0x0]  }
0x2: {  	s2 =	srdreg.scid;
	s3 =	rddreg [dreg:$0x1]  }
0x3: {  	s0 =	stileid.u32;
	s5 =	rddreg [dreg:$0x2];
	s8 =	simm.s32 $0x80  }
0x4: {  	s26 =	simm.s32 $0x880;
	s9 =	simm.s32 $0x1080;
	s10 =	simm.s32 $0x1880  }
0x5: {  	s11 =	simm.s32 $0x2080;
	s12 =	simm.s32 $0x2880;
	s13 =	simm.s32 $0x3080  }
0x6: {  	s14 =	simm.s32 $0x3880;
	s15 =	simm.s32 $0x4080;
	s16 =	simm.s32 $0x4880  }
0x7: {  	s17 =	simm.s32 $0x5080;
	s18 =	simm.s32 $0x5880;
	s19 =	simm.s32 $0x6080  }
0x8: {  	s20 =	simm.s32 $0x6880;
	s21 =	simm.s32 $0x7080;
	s22 =	simm.s32 $0x7880  }
0x9: {  	s23 =	simm.s32 $0x8080;
	s24 =	simm.s32 $0x8880;
	s28 =	simm.s32 $0xA080  }
0xa: {  	s29 =	simm.s32 $0xA880;
	s30 =	simm.s32 $0xB080;
	s31 =	simm.s32 $0xB880  }
0xb: {  	s4 =	sand.u32 $0x1, s2;
	s6 =	sshll.u32 s0, $0x4;
	s2 =	simm.s32 $0x0  }
0xc: {  	s7 =	sshll.u32 s4, $0x3;
	[smem:$0x7FF] =	sst s2;
	s4 =	ssub.s32 $0x2, s4  }
0xd: {  	s6 =	sor.u32 s7, s6;
	_ =	strace $0x80000047;
	s25 =	sshrl.u32 s4, $0x1  }
0xe: {  	[dreg:$0x6] =	wrdreg s26;
	s26 =	simm.s32 $0x9880;
	s7 =	smul.u32 $0x300, s6  }
0xf: {  	s3 =	sadd.s32 s3, s6;
	s6 =	ssub.s32 s4, s25;
	s4 =	sadd.s32 $0x1900, s5  }
0x10: {  	v2 =	vlaneseq.u32;
	s25 =	simm.s32 $0x9080;
	[dreg:$0x4] =	wrdreg s3;
	s3 =	sadd.s32 $0x1800, s5  }
0x11: {  	vm0 =	vmmov $0xffff;
	v1 =	vshrl.u32 v2, $0x3;
	s5 =	sadd.s32 $0x1A00, s5;
	s6 =	smax.u32 s6, $0x1;
	s1 =	sadd.s32 s1, s7  }
0x12: {  	v0 =	vand.u32 $0x7, v2;
	v2 =	vor.u32 $0x8, v2;
	v1 =	vmul.u32 $0x8, v1;
	s7 =	simm.s32 $0x2;
	[dreg:$0x5] =	wrdreg s1;
	s1 =	simm.s32 $0x1  }
.LBB2_1:
0x13: {  	s0 =	rddreg [dreg:$0x4]  }
0x14: {  	[tilespmem:s2], [sflag:$0x2] =	stream.linear.gather [hbm4b:s0+s2], $0x40, $0x38;
	[tilespmem:$0xC080] =	vst v63  }
0x15: {  	_ =	swait.ge [sflag:s7], $0x40  }
0x16: {  	[sflag:s7] =	ssyncset.done $0x0  }
0x17: {  	s0 =	rddreg [dreg:$0x5];
	[sflag:s7] =	ssyncadd.s32 $0xFFFFFFC0  }
0x18: {  	[tilespmem:s8], [sflag:$0x2] =	stream.linear.gather [hbm4b:s0+s2], $0xC000, $0x38;
	[tilespmem:$0xC080] =	vst v63  }
0x19: {  	_ =	swait.ge [sflag:s7], $0xC000  }
0x1a: {  	[sflag:s7] =	ssyncset.done $0x0  }
0x1b: {  	[sflag:s7] =	ssyncadd.s32 $0xFFFF4000  }
0x1c: {  	v3 =	vld [tilespmem:$0x0];
	_ =	sdelay $0x4  }
0x1d: {  	v4 =	vshrl.u32 v3, $0x3  }
0x1e: {  	v4 =	vmul.u32 $0x30, v4  }
0x1f: {  	v3 =	vand.u32 $0x7, v3  }
0x20: {  	v3 =	vor.u32 v3, v4  }
0x21: {  	v4 =	vperm.xlane v3, v0;
	_ =	sdelay $0x1  }
0x22: {  	v4 =	vadd.s32 v1, v4;
	_ =	sdelay $0x3  }
0x23: {  	v3 =	vperm.xlane v3, v2  }
0x24: {  	[hbm4b:s3+s2] =	stream.indirect_vreg.scatter [tilespmem:s8], [sflag:$0x1], $0x80, v4, vm0, $0xb8;
	[tilespmem:$0xC080] =	vst v63  }
0x25: {  	s0 =	rddreg [dreg:$0x6];
	v3 =	vadd.s32 v1, v3  }
0x26: {  	[hbm4b:s4+s2] =	stream.indirect_vreg.scatter [tilespmem:s0], [sflag:$0x1], $0x80, v4, vm0, $0xb8;
	[tilespmem:$0xC080] =	vst v63  }
0x27: {  	_ = 	snop  }
0x28: {  	[hbm4b:s5+s2] =	stream.indirect_vreg.scatter [tilespmem:s9], [sflag:$0x1], $0x80, v4, vm0, $0xb8;
	[tilespmem:$0xC080] =	vst v63  }
0x29: {  	_ = 	snop  }
0x2a: {  	[hbm4b:s3+s2] =	stream.indirect_vreg.scatter [tilespmem:s10], [sflag:$0x1], $0x80, v3, vm0, $0xb8;
	[tilespmem:$0xC080] =	vst v63  }
0x2b: {  	_ = 	snop  }
0x2c: {  	[hbm4b:s4+s2] =	stream.indirect_vreg.scatter [tilespmem:s11], [sflag:$0x1], $0x80, v3, vm0, $0xb8;
	[tilespmem:$0xC080] =	vst v63  }
0x2d: {  	_ = 	snop  }
0x2e: {  	[hbm4b:s5+s2] =	stream.indirect_vreg.scatter [tilespmem:s12], [sflag:$0x1], $0x80, v3, vm0, $0xb8;
	[tilespmem:$0xC080] =	vst v63  }
0x2f: {  	v3 =	vld [tilespmem:$0x10];
	_ =	sdelay $0x4  }
0x30: {  	v61 =	vshrl.u32 v3, $0x3  }
0x31: {  	v4 =	vmul.u32 $0x30, v61  }
0x32: {  	v3 =	vand.u32 $0x7, v3  }
0x33: {  	v3 =	vor.u32 v3, v4  }
0x34: {  	v4 =	vperm.xlane v3, v0;
	_ =	sdelay $0x1  }
0x35: {  	v4 =	vadd.s32 v1, v4;
	_ =	sdelay $0x3  }
0x36: {  	v3 =	vperm.xlane v3, v2  }
0x37: {  	[hbm4b:s3+s2] =	stream.indirect_vreg.scatter [tilespmem:s13], [sflag:$0x1], $0x80, v4, vm0, $0xb8;
	[tilespmem:$0xC080] =	vst v63  }
0x38: {  	v3 =	vadd.s32 v1, v3  }
0x39: {  	[hbm4b:s4+s2] =	stream.indirect_vreg.scatter [tilespmem:s14], [sflag:$0x1], $0x80, v4, vm0, $0xb8;
	[tilespmem:$0xC080] =	vst v63  }
0x3a: {  	_ = 	snop  }
0x3b: {  	[hbm4b:s5+s2] =	stream.indirect_vreg.scatter [tilespmem:s15], [sflag:$0x1], $0x80, v4, vm0, $0xb8;
	[tilespmem:$0xC080] =	vst v63  }
0x3c: {  	_ = 	snop  }
0x3d: {  	[hbm4b:s3+s2] =	stream.indirect_vreg.scatter [tilespmem:s16], [sflag:$0x1], $0x80, v3, vm0, $0xb8;
	[tilespmem:$0xC080] =	vst v63  }
0x3e: {  	_ = 	snop  }
0x3f: {  	[hbm4b:s4+s2] =	stream.indirect_vreg.scatter [tilespmem:s17], [sflag:$0x1], $0x80, v3, vm0, $0xb8;
	[tilespmem:$0xC080] =	vst v63  }
0x40: {  	_ = 	snop  }
0x41: {  	[hbm4b:s5+s2] =	stream.indirect_vreg.scatter [tilespmem:s18], [sflag:$0x1], $0x80, v3, vm0, $0xb8;
	[tilespmem:$0xC080] =	vst v63  }
0x42: {  	v3 =	vld [tilespmem:$0x20];
	_ =	sdelay $0x4  }
0x43: {  	v62 =	vshrl.u32 v3, $0x3  }
0x44: {  	v4 =	vmul.u32 $0x30, v62  }
0x45: {  	v3 =	vand.u32 $0x7, v3  }
0x46: {  	v3 =	vor.u32 v3, v4  }
0x47: {  	v4 =	vperm.xlane v3, v0;
	_ =	sdelay $0x1  }
0x48: {  	v4 =	vadd.s32 v1, v4;
	_ =	sdelay $0x3  }
0x49: {  	v3 =	vperm.xlane v3, v2  }
0x4a: {  	[hbm4b:s3+s2] =	stream.indirect_vreg.scatter [tilespmem:s19], [sflag:$0x1], $0x80, v4, vm0, $0xb8;
	[tilespmem:$0xC080] =	vst v63  }
0x4b: {  	v3 =	vadd.s32 v1, v3  }
0x4c: {  	[hbm4b:s4+s2] =	stream.indirect_vreg.scatter [tilespmem:s20], [sflag:$0x1], $0x80, v4, vm0, $0xb8;
	[tilespmem:$0xC080] =	vst v63  }
0x4d: {  	_ = 	snop  }
0x4e: {  	[hbm4b:s5+s2] =	stream.indirect_vreg.scatter [tilespmem:s21], [sflag:$0x1], $0x80, v4, vm0, $0xb8;
	[tilespmem:$0xC080] =	vst v63  }
0x4f: {  	_ = 	snop  }
0x50: {  	[hbm4b:s3+s2] =	stream.indirect_vreg.scatter [tilespmem:s22], [sflag:$0x1], $0x80, v3, vm0, $0xb8;
	[tilespmem:$0xC080] =	vst v63  }
0x51: {  	_ = 	snop  }
0x52: {  	[hbm4b:s4+s2] =	stream.indirect_vreg.scatter [tilespmem:s23], [sflag:$0x1], $0x80, v3, vm0, $0xb8;
	[tilespmem:$0xC080] =	vst v63  }
0x53: {  	_ = 	snop  }
0x54: {  	[hbm4b:s5+s2] =	stream.indirect_vreg.scatter [tilespmem:s24], [sflag:$0x1], $0x80, v3, vm0, $0xb8;
	[tilespmem:$0xC080] =	vst v63  }
0x55: {  	v3 =	vld [tilespmem:$0x30];
	_ =	sdelay $0x4  }
0x56: {  	v63 =	vshrl.u32 v3, $0x3  }
0x57: {  	v4 =	vmul.u32 $0x30, v63  }
0x58: {  	v3 =	vand.u32 $0x7, v3  }
0x59: {  	v3 =	vor.u32 v3, v4  }
0x5a: {  	v4 =	vperm.xlane v3, v0;
	_ =	sdelay $0x1  }
0x5b: {  	v4 =	vadd.s32 v1, v4;
	_ =	sdelay $0x3  }
0x5c: {  	v3 =	vperm.xlane v3, v2  }
0x5d: {  	[hbm4b:s3+s2] =	stream.indirect_vreg.scatter [tilespmem:s25], [sflag:$0x1], $0x80, v4, vm0, $0xb8;
	[tilespmem:$0xC080] =	vst v63  }
0x5e: {  	v3 =	vadd.s32 v1, v3  }
0x5f: {  	[hbm4b:s4+s2] =	stream.indirect_vreg.scatter [tilespmem:s26], [sflag:$0x1], $0x80, v4, vm0, $0xb8;
	[tilespmem:$0xC080] =	vst v63  }
0x60: {  	_ = 	snop  }
0x61: {  	[hbm4b:s5+s2] =	stream.indirect_vreg.scatter [tilespmem:s28], [sflag:$0x1], $0x80, v4, vm0, $0xb8;
	[tilespmem:$0xC080] =	vst v63  }
0x62: {  	_ = 	snop  }
0x63: {  	[hbm4b:s3+s2] =	stream.indirect_vreg.scatter [tilespmem:s29], [sflag:$0x1], $0x80, v3, vm0, $0xb8;
	[tilespmem:$0xC080] =	vst v63  }
0x64: {  	p0 =	sne.s32 s6, $0x1  }
0x65: {  	[hbm4b:s4+s2] =	stream.indirect_vreg.scatter [tilespmem:s30], [sflag:$0x1], $0x80, v3, vm0, $0xb8;
	[tilespmem:$0xC080] =	vst v63  }
.Ltmp0:
0x66: {  	_ = 	snop;
	(pc) =	sbr.rel @p0 .LBB2_1-.Ltmp0, $4  }
0x67: {  	[hbm4b:s5+s2] =	stream.indirect_vreg.scatter [tilespmem:s31], [sflag:$0x1], $0x80, v3, vm0, $0xb8;
	[tilespmem:$0xC080] =	vst v63  }
0x68: {  	_ =	swait.ge [sflag:s1], $0xC000  }
0x69: {  	[sflag:s1] =	ssyncset.done $0x0  }
0x6a: {  	s6 =	sadd.s32 $0xFFFFFFFF, s6;
	[sflag:s1] =	ssyncadd.s32 $0xFFFF4000  }
0x6b: {  	_ =	sfence.sel $0x180000  }
0x6c: {  	[bflag:$0x0] =	sbarrier.arrive $0xFFFF  }
0x6d: {  	_ =	strace $0x90000047  }
0x6e: {  	s0 =	stileid.u32;
	[bflag:$0x2] =	sbarrier.arrive $0xFFFF  }
0x6f: {  	p0 =	sne.s32 s0, $0x0;
	s0 =	rddreg [dreg:$0x3]  }
0x70: {  	s0 =	sadd.s32 @!p0 $0x100000, s0  }
0x71: {  	[sflag:s0] =	ssyncadd.tile.s32 @!p0 $0x1;
	_ =	shalt  }
.Lfunc_end2:
_tile_overlayer_lowered:
.L_overlay_start_2:
0x72: {  	(tag) =	ssettag $0x2  }
0x73: {  	s0 =	rddreg [dreg:$0x0];
	s2 =	stileid.u32  }
0x74: {  	s1 =	rddreg [dreg:$0x1];
	p0 =	sne.s32 s2, $0x0  }
0x75: {  	s3 =	rddreg [dreg:$0x2];
	[bflag:$0x3] =	sbarrier.arrive $0xFFFF;
	s2 =	simm.s32 @!p0 $0x1C02  }
0x76: {  	[timem:s3], [sflag:s2] =	dma.local @!p0 [hbm:s0], s1  }
0x77: {  	s0 =	simm.s32 @!p0 $0x2  }
0x78: {  	_ =	swait.ge @!p0 [sflag:s0], s1  }
0x79: {  	s1 =	ssub.s32 @!p0 $0x0, s1;
	[sflag:s0] =	ssyncset.done @!p0 $0x0  }
0x7a: {  	[sflag:s0] =	ssyncadd.s32 @!p0 s1  }
0x7b: {  	[bflag:$0x3] =	sbarrier.arrive $0xFFFF  }
0x7c: {  	_ =	shalt  }

// kernel: kernel.9.cloned.1.call-start
scs
__scs_entry_jumppad:
0x0: {  	(pc) =	sbr.rel $0x88, $3  }
0x1: {  	(tag) =	ssettag $0x0;
	lr =	simm.s32 $0x1  }
0x2: {  	[smem:$0x3F99] =	sst lr;
	_ =	strace $0xD0000000  }
0x3: {  	_ = 	snop  }
0x4: {  	_ = 	snop  }
0x5: {  	_ = 	snop  }
0x6: {  	_ = 	snop  }
0x7: {  	_ = 	snop  }
__scs_overlays_trampoline_lowered:
0x8: {  	[smem:$0x3FA8] =	sst s0  }
0x9: {  	[smem:$0x3FA9] =	sst s1  }
0xa: {  	[smem:$0x3FAA] =	sst s2  }
0xb: {  	[smem:$0x3FAB] =	sst s3  }
0xc: {  	[smem:$0x3FAC] =	sst s4  }
0xd: {  	[smem:$0x3FAD] =	sst s5  }
0xe: {  	[smem:$0x3FAE] =	sst s6  }
0xf: {  	[smem:$0x3FAF] =	sst s7  }
0x10: {  	[smem:$0x3FB0] =	sst s8  }
0x11: {  	[smem:$0x3FB1] =	sst s9;
	s0 =	simm.s32 @!p0 $0x0  }
0x12: {  	s1 =	sld [smem:$0x3F97];
	s0 =	simm.s32 @p0 $0x1  }
0x13: {  	[smem:$0x3FB2] =	sst s0;
	s0 =	simm.s32 @!p1 $0x0  }
0x14: {  	s2 =	sld [smem:$0x3F96];
	s0 =	simm.s32 @p1 $0x1  }
0x15: {  	[smem:$0x3FB3] =	sst s0;
	s0 =	simm.s32 @!p2 $0x0  }
0x16: {  	s3 =	sld [smem:$0x3FDB];
	s0 =	simm.s32 @p2 $0x1  }
0x17: {  	s4 =	simm.s32 $0x1BF5;
	[smem:$0x3FB5] =	sst s0  }
0x18: {  	s0 =	sld [smem:$0x3F98];
	_ =	swait.ge [sflag:s4], $0x0  }
0x19: {  	s7 =	sld [smem:$0x3F99]  }
0x1a: {  	s8 =	sadd.s32 $0xFFFFE003, lr  }
0x1b: {  	s9 =	sadd.s32 $0xFFFFFEF7, lr;
	s5 =	simm.s32 $0xFFFFFFFF;
	p2 =	slt.u32 s8, $0xFFFFF086  }
0x1c: {  	p1 =	slt.u32 s9, $0xF7A;
	s5 =	simm.s32 @!p2 $0x0  }
0x1d: {  	s5 =	simm.s32 @p1 $0x1;
	p0 =	seq.s32 s7, s2  }
0x1e: {  	s7 =	smul.u32 @!p0 $0xF7A, s2;
	p2 =	seq.s32 @!p0 s5, $0x0  }
0x1f: {  	s9 =	smul.u32 $0xF7A, s1;
	s8 =	simm.s32 @!p0 $0x1BF5;
	p2 =	por !p2, p0  }
0x20: {  	[sflag:s8] =	ssyncset.s32 @!p0 $0xFFFFF086;
	s6 =	sadd.s32 @!p0 s3, s7;
	s7 =	simm.s32 @!p0 $0x108  }
0x21: {  	s3 =	sadd.s32 s3, s9;
	s6 =	sadd.s32 @!p0 $0x88, s6;
	s7 =	simm.s32 @p2 $0x1082  }
0x22: {  	[simem:s7], [sflag:s8] =	dma.local @!p0 [hbm:s6], $0xF7A  }
0x23: {  	s9 =	sor.u32 $0xD0000000, s2;
	s6 =	simm.s32 $0x108;
	_ =	swait.ge @!p0 [sflag:s8], $0x0  }
0x24: {  	s3 =	sadd.s32 $0x88, s3;
	s6 =	simm.s32 @!p1 $0x1082;
	[sflag:s4] =	ssyncset.s32 $0xFFFFF086  }
0x25: {  	[simem:s6], [sflag:s4] =	dma.local [hbm:s3], $0xF7A  }
0x26: {  	[smem:$0x3F99] =	sst s1;
	(tag) =	ssettag s2;
	_ =	strace s9  }
0x27: {  	s1 =	sld [smem:$0x3FA9]  }
0x28: {  	s2 =	sld [smem:$0x3FAA]  }
0x29: {  	s4 =	sld [smem:$0x3FAC]  }
0x2a: {  	p0 =	seq.s32 s5, $0x0;
	s5 =	sld [smem:$0x3FAD]  }
0x2b: {  	s6 =	sld [smem:$0x3FAE]  }
0x2c: {  	s7 =	sld [smem:$0x3FAF]  }
0x2d: {  	s3 =	simm.s32 $0x108;
	s8 =	sld [smem:$0x3FB0]  }
0x2e: {  	s3 =	simm.s32 @!p0 $0x1082;
	s9 =	sld [smem:$0x3FB1]  }
0x2f: {  	lr =	sadd.s32 s0, s3;
	s0 =	sld [smem:$0x3FA8]  }
0x30: {  	s3 =	sld [smem:$0x3FAB]  }
0x31: {  	[smem:$0x3FB4] =	sst s10  }
0x32: {  	s10 =	sld [smem:$0x3FB2];
	_ =	sdelay $0x3  }
0x33: {  	p0 =	seq.s32 s10, $0x1;
	s10 =	sld [smem:$0x3FB4];
	_ =	sdelay $0x3  }
0x34: {  	[smem:$0x3FB4] =	sst s10  }
0x35: {  	s10 =	sld [smem:$0x3FB3];
	_ =	sdelay $0x3  }
0x36: {  	p1 =	seq.s32 s10, $0x1;
	s10 =	sld [smem:$0x3FB4];
	_ =	sdelay $0x3  }
0x37: {  	[smem:$0x3FB4] =	sst s10  }
0x38: {  	s10 =	sld [smem:$0x3FB5]  }
0x39: {  	_ = 	snop;
	(pc) =	sbr.ind lr, $3  }
0x3a: {  	_ = 	snop  }
0x3b: {  	_ = 	snop  }
0x3c: {  	p2 =	seq.s32 s10, $0x1;
	s10 =	sld [smem:$0x3FB4]  }
0x3d: {  	_ =	shalt  }
0x3e: {  	_ =	shalt  }
0x3f: {  	_ =	shalt  }
0x40: {  	_ =	shalt  }
0x41: {  	_ =	shalt  }
0x42: {  	_ =	shalt  }
0x43: {  	_ =	shalt  }
0x44: {  	_ =	shalt  }
0x45: {  	_ =	shalt  }
0x46: {  	_ =	shalt  }
0x47: {  	_ =	shalt  }
0x48: {  	_ =	shalt  }
0x49: {  	_ =	shalt  }
0x4a: {  	_ =	shalt  }
0x4b: {  	_ =	shalt  }
0x4c: {  	_ =	shalt  }
0x4d: {  	_ =	shalt  }
0x4e: {  	_ =	shalt  }
0x4f: {  	_ =	shalt  }
0x50: {  	_ =	shalt  }
0x51: {  	_ =	shalt  }
0x52: {  	_ =	shalt  }
0x53: {  	_ =	shalt  }
0x54: {  	_ =	shalt  }
0x55: {  	_ =	shalt  }
0x56: {  	_ =	shalt  }
0x57: {  	_ =	shalt  }
0x58: {  	_ =	shalt  }
0x59: {  	_ =	shalt  }
0x5a: {  	_ =	shalt  }
0x5b: {  	_ =	shalt  }
0x5c: {  	_ =	shalt  }
0x5d: {  	_ =	shalt  }
0x5e: {  	_ =	shalt  }
0x5f: {  	_ =	shalt  }
0x60: {  	_ =	shalt  }
0x61: {  	_ =	shalt  }
0x62: {  	_ =	shalt  }
0x63: {  	_ =	shalt  }
0x64: {  	_ =	shalt  }
0x65: {  	_ =	shalt  }
0x66: {  	_ =	shalt  }
0x67: {  	_ =	shalt  }
0x68: {  	_ =	shalt  }
0x69: {  	_ =	shalt  }
0x6a: {  	_ =	shalt  }
0x6b: {  	_ =	shalt  }
0x6c: {  	_ =	shalt  }
0x6d: {  	_ =	shalt  }
0x6e: {  	_ =	shalt  }
0x6f: {  	_ =	shalt  }
0x70: {  	_ =	shalt  }
0x71: {  	_ =	shalt  }
0x72: {  	_ =	shalt  }
0x73: {  	_ =	shalt  }
0x74: {  	_ =	shalt  }
0x75: {  	_ =	shalt  }
0x76: {  	_ =	shalt  }
0x77: {  	_ =	shalt  }
0x78: {  	_ =	shalt  }
0x79: {  	_ =	shalt  }
0x7a: {  	_ =	shalt  }
0x7b: {  	_ =	shalt  }
0x7c: {  	_ =	shalt  }
0x7d: {  	_ =	shalt  }
0x7e: {  	_ =	shalt  }
0x7f: {  	_ =	shalt  }
0x80: {  	_ =	shalt  }
0x81: {  	_ =	shalt  }
0x82: {  	_ =	shalt  }
0x83: {  	_ =	shalt  }
0x84: {  	_ =	shalt  }
0x85: {  	_ =	shalt  }
0x86: {  	_ =	shalt  }
0x87: {  	_ =	shalt  }
.Lfunc_end0:
.L_simem_size_0:
called_computation.1_lowered:
.L_overlay_start_0:
0x88: {  	s2 =	sld [smem:$0x3FD9]  }
0x89: {  	s3 =	sld [smem:$0x3FFE];
	_ =	sdelay $0x1  }
0x8a: {  	s1 =	srdreg.scid  }
0x8b: {  	s0 =	sand.u32 $0x1, s1  }
0x8c: {  	s14 =	sshll.u32 s0, $0xA;
	s2 =	sadd.s32 s3, s2  }
0x8d: {  	s2 =	sadd.s32 s2, s14  }
0x8e: {  	[smem:$0x3FC0] =	sst s2  }
0x8f: {  	_ = 	snop  }
0x90: {  	s2 =	sld [smem:$0x3FD0];
	_ =	sdelay $0x2  }
0x91: {  	s15 =	simm.s32 $0xA;
	s4 =	simm.s32 $0x10  }
0x92: {  	[smem:s4], [sflag:s15] =	dma.local [hbm:s2], $0x1  }
0x93: {  	_ =	swait.eq [sflag:s15], $0x1  }
0x94: {  	[sflag:s15] =	ssyncset.done $0x0  }
0x95: {  	[sflag:s15] =	ssyncadd.s32 $0xFFFFFFFF  }
0x96: {  	s16 =	sld [smem:$0x10];
	(tm) =	ssettm $0x1  }
0x97: {  	s17 =	sld [smem:$0x3FFB];
	_ =	sdelay $0x3  }
0x98: {  	_ =	strace s17  }
0x99: {  	s3 =	sld [smem:$0x3FFC];
	_ =	sdelay $0x3  }
0x9a: {  	_ =	strace s3  }
0x9b: {  	s3 =	sld [smem:$0x3FFD];
	_ =	sdelay $0x3  }
0x9c: {  	_ =	strace s3  }
0x9d: {  	_ =	strace $0x8FFFFFFF  }
0x9e: {  	s18 =	sld [smem:$0x3FDB];
	_ =	sdelay $0x1  }
0x9f: {  	s19 =	simm.s32 $_scs_section_size  }
0xa0: {  	s5 =	simm.s32 $_size__tile_overlayer_lowered;
	s6 =	simm.s32 $_tile_overlayer_lowered  }
0xa1: {  	s22 =	simm.s32 $0x1BFF;
	s21 =	sshll.u32 s6, $0x1;
	s3 =	sadd.s32 s19, s18  }
0xa2: {  	s7 =	simm.s32 $0x0;
	s20 =	sshll.u32 s5, $0x1;
	s5 =	sadd.s32 s21, s3  }
0xa3: {  	[timem:s7], [sflag:s22] =	dma.local [hbm:s5], s20  }
0xa4: {  	_ =	swait.ge [sflag:s22], s20  }
0xa5: {  	s4 =	ssub.s32 $0x0, s20;
	[sflag:s22] =	ssyncset.done $0x0  }
0xa6: {  	[sflag:s22] =	ssyncadd.s32 s4;
	_ =	sdelay $0x1  }
0xa7: {  	s23 =	simm.s32 $0x1B8B  }
0xa8: {  	_ =	swait.ge [sflag:s23], $0x1  }
0xa9: {  	[sflag:s23] =	ssyncset.done $0x0  }
0xaa: {  	s25 =	simm.s32 $0x1B8E;
	s24 =	sld [smem:$0x3FFE];
	[sflag:s23] =	ssyncadd.s32 $0xFFFFFFFF  }
0xab: {  	s26 =	simm.s32 $execute0_lowered;
	[smem:$0x3FD2] =	sst s25  }
0xac: {  	s5 =	sshll.u32 s26, $0x1;
	_ =	strace $0x80000049;
	[dreg:$0x1] =	wrdreg $0xFFFFFFFF  }
0xad: {  	s28 =	simm.s32 $_size_execute0_lowered;
	s3 =	sadd.s32 s3, s5;
	[dreg:$0x0] =	wrdreg $0x0  }
0xae: {  	s5 =	sshll.u32 s28, $0x1;
	[dreg:$0x2] =	wrdreg s3  }
0xaf: {  	[dreg:$0x3] =	wrdreg s5  }
0xb0: {  	[dreg:$0x4] =	wrdreg $0xC0  }
0xb1: {  	_ =	task [dreg:s7], $0x5FFFF  }
0xb2: {  	[dreg:$0x1] =	wrdreg $0xFFFFFFFF  }
0xb3: {  	[dreg:$0x0] =	wrdreg $0x60  }
0xb4: {  	[dreg:$0x2] =	wrdreg s24  }
0xb5: {  	[dreg:$0x3] =	wrdreg s16  }
0xb6: {  	[dreg:$0x4] =	wrdreg $0x9  }
0xb7: {  	_ =	task.clear_ibuf [dreg:s7], $0x5FFFF;
	_ =	strace $0x90000049  }
0xb8: {  	s29 =	simm.s32 $0x9;
	_ =	strace $0x8000004B  }
0xb9: {  	_ =	swait.ge [sflag:s29], $0x1  }
0xba: {  	[sflag:s29] =	ssyncadd.s32 $0xFFFFFFFF  }
0xbb: {  	_ =	strace $0x9000004B  }
0xbc: {  	_ =	sfence  }
0xbd: {  	s30 =	sld [smem:$0x0];
	_ =	sdelay $0x2  }
0xbe: {  	s31 =	sshll.u32 s1, $0xD;
	s1 =	sshrl.u32 s1, $0x2  }
0xbf: {  	s3 =	sand.u32 $0x4000, s31;
	s1 =	sadd.s32 s1, s30  }
0xc0: {  	s0 =	sor.u32 s3, s0;
	s1 =	sshll.u32 s1, $0x11  }
0xc1: {  	s0 =	sor.u32 s1, s0  }
0xc2: {  	s0 =	sadd.s32 $0x8F2B, s0  }
0xc3: {  	[sflag:s0] =	ssyncadd.remote.s32 $0x1  }
0xc4: {  	_ =	sfence.sel $0xFFFF  }
0xc5: {  	[dreg:$0x0] =	wrdreg $0xFFFFFFFF;
	(pc) =	sbr.abs _section_cstart, $3  }
0xc6: {  	[dreg:$0x1] =	wrdreg $0xFFFFFFFF  }
0xc7: {  	_ =	task.clear_ibuf [dreg:s7], $0x2FFFF;
	_ =	strace $0x9FFFFFFF  }
0xc8: {  	(tm) =	ssettm $0x7FFFFFFF  }
0xc9: {  	_ =	shalt  }
tec
execute0_lowered:
.L_overlay_start_1:
0x0: {  	(tag) =	ssettag $0x1  }
0x1: {  	s1 =	srdreg.scid  }
0x2: {  	s5 =	rddreg [dreg:$0x0];
	s0 =	stileid.u32  }
0x3: {  	s4 =	rddreg [dreg:$0x1];
	s2 =	simm.s32 $0x0;
	s26 =	simm.s32 $0x880  }
0x4: {  	s9 =	simm.s32 $0x1080;
	s10 =	simm.s32 $0x1880;
	s11 =	simm.s32 $0x2080  }
0x5: {  	s12 =	simm.s32 $0x2880;
	s13 =	simm.s32 $0x3080;
	s14 =	simm.s32 $0x3880  }
0x6: {  	s15 =	simm.s32 $0x4080;
	s16 =	simm.s32 $0x4880;
	s17 =	simm.s32 $0x5080  }
0x7: {  	s18 =	simm.s32 $0x5880;
	s19 =	simm.s32 $0x6080;
	s20 =	simm.s32 $0x6880  }
0x8: {  	s21 =	simm.s32 $0x7080;
	s22 =	simm.s32 $0x7880;
	s23 =	simm.s32 $0x8080  }
0x9: {  	s24 =	simm.s32 $0x8880;
	s28 =	simm.s32 $0xA080;
	s29 =	simm.s32 $0xA880  }
0xa: {  	s30 =	simm.s32 $0xB080;
	s31 =	simm.s32 $0xB880;
	s1 =	sand.u32 $0x1, s1  }
0xb: {  	s3 =	sshll.u32 s0, $0x4;
	[smem:$0x7FF] =	sst s2;
	s6 =	sshll.u32 s1, $0x3  }
0xc: {  	s1 =	ssub.s32 $0x2, s1;
	_ =	strace $0x8000004A;
	[dreg:$0x5] =	wrdreg s26  }
0xd: {  	s26 =	simm.s32 $0x9880;
	s6 =	sor.u32 s6, s3;
	s3 =	sadd.s32 $0x1800, s5  }
0xe: {  	s8 =	sshrl.u32 s1, $0x1;
	s7 =	smul.u32 $0x300, s6;
	s4 =	sadd.s32 s4, s6  }
0xf: {  	s1 =	ssub.s32 s1, s8;
	s8 =	simm.s32 $0x80;
	[dreg:$0x3] =	wrdreg s4  }
0x10: {  	v2 =	vlaneseq.u32;
	s4 =	sadd.s32 $0x1900, s5;
	s6 =	smax.u32 s1, $0x1;
	s7 =	sadd.s32 s7, s5  }
0x11: {  	vm0 =	vmmov $0xffff;
	v1 =	vshrl.u32 v2, $0x3;
	s1 =	simm.s32 $0x1;
	s5 =	sadd.s32 $0x1A00, s5;
	s25 =	sadd.s32 $0x49800, s7  }
0x12: {  	v0 =	vand.u32 $0x7, v2;
	v2 =	vor.u32 $0x8, v2;
	v1 =	vmul.u32 $0x8, v1;
	s7 =	simm.s32 $0x2;
	[dreg:$0x4] =	wrdreg s25;
	s25 =	simm.s32 $0x9080  }
.LBB2_1:
0x13: {  	s0 =	rddreg [dreg:$0x3]  }
0x14: {  	[tilespmem:s2], [sflag:$0x2] =	stream.linear.gather [hbm4b:s0+s2], $0x40, $0x38;
	[tilespmem:$0xC080] =	vst v63  }
0x15: {  	_ =	swait.ge [sflag:s7], $0x40  }
0x16: {  	[sflag:s7] =	ssyncset.done $0x0  }
0x17: {  	[sflag:s7] =	ssyncadd.s32 $0xFFFFFFC0  }
0x18: {  	v3 =	vld [tilespmem:$0x0];
	_ =	sdelay $0x4  }
0x19: {  	v4 =	vshrl.u32 v3, $0x3  }
0x1a: {  	v4 =	vmul.u32 $0x30, v4  }
0x1b: {  	v3 =	vand.u32 $0x7, v3  }
0x1c: {  	v3 =	vor.u32 v3, v4  }
0x1d: {  	v4 =	vperm.xlane v3, v0;
	_ =	sdelay $0x1  }
0x1e: {  	v4 =	vadd.s32 v1, v4;
	_ =	sdelay $0x3  }
0x1f: {  	v3 =	vperm.xlane v3, v2  }
0x20: {  	[tilespmem:s8], [sflag:$0x1] =	stream.indirect_vreg.gather [hbm4b:s3+s2], $0x80, v4, vm0, $0xb8;
	[tilespmem:$0xC080] =	vst v63  }
0x21: {  	s0 =	rddreg [dreg:$0x5];
	v3 =	vadd.s32 v1, v3  }
0x22: {  	[tilespmem:s0], [sflag:$0x1] =	stream.indirect_vreg.gather [hbm4b:s4+s2], $0x80, v4, vm0, $0xb8;
	[tilespmem:$0xC080] =	vst v63  }
0x23: {  	_ = 	snop  }
0x24: {  	[tilespmem:s9], [sflag:$0x1] =	stream.indirect_vreg.gather [hbm4b:s5+s2], $0x80, v4, vm0, $0xb8;
	[tilespmem:$0xC080] =	vst v63  }
0x25: {  	_ = 	snop  }
0x26: {  	[tilespmem:s10], [sflag:$0x1] =	stream.indirect_vreg.gather [hbm4b:s3+s2], $0x80, v3, vm0, $0xb8;
	[tilespmem:$0xC080] =	vst v63  }
0x27: {  	_ = 	snop  }
0x28: {  	[tilespmem:s11], [sflag:$0x1] =	stream.indirect_vreg.gather [hbm4b:s4+s2], $0x80, v3, vm0, $0xb8;
	[tilespmem:$0xC080] =	vst v63  }
0x29: {  	_ = 	snop  }
0x2a: {  	[tilespmem:s12], [sflag:$0x1] =	stream.indirect_vreg.gather [hbm4b:s5+s2], $0x80, v3, vm0, $0xb8;
	[tilespmem:$0xC080] =	vst v63  }
0x2b: {  	v3 =	vld [tilespmem:$0x10];
	_ =	sdelay $0x4  }
0x2c: {  	v61 =	vshrl.u32 v3, $0x3  }
0x2d: {  	v4 =	vmul.u32 $0x30, v61  }
0x2e: {  	v3 =	vand.u32 $0x7, v3  }
0x2f: {  	v3 =	vor.u32 v3, v4  }
0x30: {  	v4 =	vperm.xlane v3, v0;
	_ =	sdelay $0x1  }
0x31: {  	v4 =	vadd.s32 v1, v4;
	_ =	sdelay $0x3  }
0x32: {  	v3 =	vperm.xlane v3, v2  }
0x33: {  	[tilespmem:s13], [sflag:$0x1] =	stream.indirect_vreg.gather [hbm4b:s3+s2], $0x80, v4, vm0, $0xb8;
	[tilespmem:$0xC080] =	vst v63  }
0x34: {  	v3 =	vadd.s32 v1, v3  }
0x35: {  	[tilespmem:s14], [sflag:$0x1] =	stream.indirect_vreg.gather [hbm4b:s4+s2], $0x80, v4, vm0, $0xb8;
	[tilespmem:$0xC080] =	vst v63  }
0x36: {  	_ = 	snop  }
0x37: {  	[tilespmem:s15], [sflag:$0x1] =	stream.indirect_vreg.gather [hbm4b:s5+s2], $0x80, v4, vm0, $0xb8;
	[tilespmem:$0xC080] =	vst v63  }
0x38: {  	_ = 	snop  }
0x39: {  	[tilespmem:s16], [sflag:$0x1] =	stream.indirect_vreg.gather [hbm4b:s3+s2], $0x80, v3, vm0, $0xb8;
	[tilespmem:$0xC080] =	vst v63  }
0x3a: {  	_ = 	snop  }
0x3b: {  	[tilespmem:s17], [sflag:$0x1] =	stream.indirect_vreg.gather [hbm4b:s4+s2], $0x80, v3, vm0, $0xb8;
	[tilespmem:$0xC080] =	vst v63  }
0x3c: {  	_ = 	snop  }
0x3d: {  	[tilespmem:s18], [sflag:$0x1] =	stream.indirect_vreg.gather [hbm4b:s5+s2], $0x80, v3, vm0, $0xb8;
	[tilespmem:$0xC080] =	vst v63  }
0x3e: {  	v3 =	vld [tilespmem:$0x20];
	_ =	sdelay $0x4  }
0x3f: {  	v62 =	vshrl.u32 v3, $0x3  }
0x40: {  	v4 =	vmul.u32 $0x30, v62  }
0x41: {  	v3 =	vand.u32 $0x7, v3  }
0x42: {  	v3 =	vor.u32 v3, v4  }
0x43: {  	v4 =	vperm.xlane v3, v0;
	_ =	sdelay $0x1  }
0x44: {  	v4 =	vadd.s32 v1, v4;
	_ =	sdelay $0x3  }
0x45: {  	v3 =	vperm.xlane v3, v2  }
0x46: {  	[tilespmem:s19], [sflag:$0x1] =	stream.indirect_vreg.gather [hbm4b:s3+s2], $0x80, v4, vm0, $0xb8;
	[tilespmem:$0xC080] =	vst v63  }
0x47: {  	v3 =	vadd.s32 v1, v3  }
0x48: {  	[tilespmem:s20], [sflag:$0x1] =	stream.indirect_vreg.gather [hbm4b:s4+s2], $0x80, v4, vm0, $0xb8;
	[tilespmem:$0xC080] =	vst v63  }
0x49: {  	_ = 	snop  }
0x4a: {  	[tilespmem:s21], [sflag:$0x1] =	stream.indirect_vreg.gather [hbm4b:s5+s2], $0x80, v4, vm0, $0xb8;
	[tilespmem:$0xC080] =	vst v63  }
0x4b: {  	_ = 	snop  }
0x4c: {  	[tilespmem:s22], [sflag:$0x1] =	stream.indirect_vreg.gather [hbm4b:s3+s2], $0x80, v3, vm0, $0xb8;
	[tilespmem:$0xC080] =	vst v63  }
0x4d: {  	_ = 	snop  }
0x4e: {  	[tilespmem:s23], [sflag:$0x1] =	stream.indirect_vreg.gather [hbm4b:s4+s2], $0x80, v3, vm0, $0xb8;
	[tilespmem:$0xC080] =	vst v63  }
0x4f: {  	_ = 	snop  }
0x50: {  	[tilespmem:s24], [sflag:$0x1] =	stream.indirect_vreg.gather [hbm4b:s5+s2], $0x80, v3, vm0, $0xb8;
	[tilespmem:$0xC080] =	vst v63  }
0x51: {  	v3 =	vld [tilespmem:$0x30];
	_ =	sdelay $0x4  }
0x52: {  	v63 =	vshrl.u32 v3, $0x3  }
0x53: {  	v4 =	vmul.u32 $0x30, v63  }
0x54: {  	v3 =	vand.u32 $0x7, v3  }
0x55: {  	v3 =	vor.u32 v3, v4  }
0x56: {  	v4 =	vperm.xlane v3, v0;
	_ =	sdelay $0x1  }
0x57: {  	v4 =	vadd.s32 v1, v4;
	_ =	sdelay $0x3  }
0x58: {  	v3 =	vperm.xlane v3, v2  }
0x59: {  	[tilespmem:s25], [sflag:$0x1] =	stream.indirect_vreg.gather [hbm4b:s3+s2], $0x80, v4, vm0, $0xb8;
	[tilespmem:$0xC080] =	vst v63  }
0x5a: {  	v3 =	vadd.s32 v1, v3  }
0x5b: {  	[tilespmem:s26], [sflag:$0x1] =	stream.indirect_vreg.gather [hbm4b:s4+s2], $0x80, v4, vm0, $0xb8;
	[tilespmem:$0xC080] =	vst v63  }
0x5c: {  	_ = 	snop  }
0x5d: {  	[tilespmem:s28], [sflag:$0x1] =	stream.indirect_vreg.gather [hbm4b:s5+s2], $0x80, v4, vm0, $0xb8;
	[tilespmem:$0xC080] =	vst v63  }
0x5e: {  	_ = 	snop  }
0x5f: {  	[tilespmem:s29], [sflag:$0x1] =	stream.indirect_vreg.gather [hbm4b:s3+s2], $0x80, v3, vm0, $0xb8;
	[tilespmem:$0xC080] =	vst v63  }
0x60: {  	_ = 	snop  }
0x61: {  	[tilespmem:s30], [sflag:$0x1] =	stream.indirect_vreg.gather [hbm4b:s4+s2], $0x80, v3, vm0, $0xb8;
	[tilespmem:$0xC080] =	vst v63  }
0x62: {  	_ = 	snop  }
0x63: {  	[tilespmem:s31], [sflag:$0x1] =	stream.indirect_vreg.gather [hbm4b:s5+s2], $0x80, v3, vm0, $0xb8;
	[tilespmem:$0xC080] =	vst v63  }
0x64: {  	_ =	swait.ge [sflag:s1], $0xC000  }
0x65: {  	p0 =	sne.s32 s6, $0x1;
	[sflag:s1] =	ssyncset.done $0x0  }
.Ltmp0:
0x66: {  	s0 =	rddreg [dreg:$0x4];
	[sflag:s1] =	ssyncadd.s32 $0xFFFF4000;
	(pc) =	sbr.rel @p0 .LBB2_1-.Ltmp0, $4  }
0x67: {  	[hbm4b:s0+s2] =	stream.linear.scatter [tilespmem:s8], [sflag:$0x2], $0xC000, $0x38;
	[tilespmem:$0xC080] =	vst v63  }
0x68: {  	_ =	swait.ge [sflag:s7], $0xC000  }
0x69: {  	[sflag:s7] =	ssyncset.done $0x0  }
0x6a: {  	s6 =	sadd.s32 $0xFFFFFFFF, s6;
	[sflag:s7] =	ssyncadd.s32 $0xFFFF4000  }
0x6b: {  	_ =	sfence.sel $0x180000  }
0x6c: {  	[bflag:$0x0] =	sbarrier.arrive $0xFFFF  }
0x6d: {  	_ =	strace $0x9000004A  }
0x6e: {  	s0 =	stileid.u32;
	[bflag:$0x2] =	sbarrier.arrive $0xFFFF  }
0x6f: {  	p0 =	sne.s32 s0, $0x0;
	s0 =	rddreg [dreg:$0x2]  }
0x70: {  	s0 =	sadd.s32 @!p0 $0x100000, s0  }
0x71: {  	[sflag:s0] =	ssyncadd.tile.s32 @!p0 $0x1;
	_ =	shalt  }
.Lfunc_end2:
_tile_overlayer_lowered:
.L_overlay_start_2:
0x72: {  	(tag) =	ssettag $0x2  }
0x73: {  	s0 =	rddreg [dreg:$0x0];
	s2 =	stileid.u32  }
0x74: {  	s1 =	rddreg [dreg:$0x1];
	p0 =	sne.s32 s2, $0x0  }
0x75: {  	s3 =	rddreg [dreg:$0x2];
	[bflag:$0x3] =	sbarrier.arrive $0xFFFF;
	s2 =	simm.s32 @!p0 $0x1C02  }
0x76: {  	[timem:s3], [sflag:s2] =	dma.local @!p0 [hbm:s0], s1  }
0x77: {  	s0 =	simm.s32 @!p0 $0x2  }
0x78: {  	_ =	swait.ge @!p0 [sflag:s0], s1  }
0x79: {  	s1 =	ssub.s32 @!p0 $0x0, s1;
	[sflag:s0] =	ssyncset.done @!p0 $0x0  }
0x7a: {  	[sflag:s0] =	ssyncadd.s32 @!p0 s1  }
0x7b: {  	[bflag:$0x3] =	sbarrier.arrive $0xFFFF  }
0x7c: {  	_ =	shalt  }

</sc_bundles>
